<compile_context>
chip_gen: v7x
topology: tpu7x:2x2x1
jax: 0.10.2.dev20260603
libtpu: 0.0.44.dev20260713+nightly
codegen_flags: <defaults>
</compile_context>

<pallas_src>
import functools

import jax
import jax.numpy as jnp
from jax import lax
from jax.experimental import pallas as pl
from jax.experimental.pallas import tpu as pltpu
from jax.experimental.pallas import tpu_sc as plsc

N = 10000
E = 320000
T = 7
C = 128
AVG = 7

NB = 10
BN = N // NB

NC, NS, L = 2, 16, 16
NW = NC * NS
K = 80
NCH = 125
EPW = K * NCH
ACC_R = 10000
NZCH = ACC_R // K


def _mm_body(x_ref, w_ref, y_ref):
    y_ref[...] = jnp.dot(x_ref[...], w_ref[0],
                         preferred_element_type=jnp.float32)


def _compute_y(x, w3):
    return pl.pallas_call(
        _mm_body,
        grid=(NB, T),
        in_specs=[
            pl.BlockSpec((BN, C), lambda nb, t: (nb, 0)),
            pl.BlockSpec((1, C, C), lambda nb, t: (t, 0, 0)),
        ],
        out_specs=pl.BlockSpec((BN, C), lambda nb, t: (t * NB + nb, 0)),
        out_shape=jax.ShapeDtypeStruct((T * N, C), jnp.float32),
    )(x, w3)


def _sc_body(y_hbm, src_hbm, et_hbm, dst_hbm, part_hbm,
             gi, ei, di, rows, sem_gi, sem_ei, sem_di, sem_g, sem_s, acc_sh):
    cid = lax.axis_index("c")
    sid = lax.axis_index("s")
    wid = sid * NC + cid
    base = wid * EPW

    def _load_idx(j, b2, b6):
        off = base + j * K
        pltpu.async_copy(src_hbm.at[pl.ds(off, K)], gi[b2], sem_gi[b2])
        pltpu.async_copy(et_hbm.at[pl.ds(off, K)], ei[b2], sem_ei[b2])
        pltpu.async_copy(dst_hbm.at[pl.ds(off, K)], di[b6], sem_di[b6])

    def _wait_idx(b2, b6):
        pltpu.make_async_copy(src_hbm.at[pl.ds(0, K)], gi[b2],
                              sem_gi[b2]).wait()
        pltpu.make_async_copy(et_hbm.at[pl.ds(0, K)], ei[b2],
                              sem_ei[b2]).wait()
        pltpu.make_async_copy(dst_hbm.at[pl.ds(0, K)], di[b6],
                              sem_di[b6]).wait()
        for i in range(K // L):
            s = pl.ds(i * L, L)
            gi[b2][s] = ei[b2][s] * N + gi[b2][s]

    def _issue_gather(b3, b2):
        pltpu.async_copy(y_hbm.at[gi[b2]], rows[b3], sem_g[b3])

    def _wait_gather(b3):
        pltpu.make_async_copy(y_hbm.at[pl.ds(0, K)], rows[b3],
                              sem_g[b3]).wait()

    def _issue_scatter(b3, b6):
        pltpu.async_copy(rows[b3], acc_sh.at[di[b6]], sem_s[b3], add=True)

    def _wait_scatter(b3):
        pltpu.make_async_copy(rows[b3], acc_sh.at[pl.ds(0, K), :],
                              sem_s[b3]).wait()

    _load_idx(0, 0, 0)
    _load_idx(1, 1, 1)

    def _zero_zbuf(i, _):
        for c8 in range(C // L):
            rows[0][i, pl.ds(c8 * L, L)] = jnp.zeros((L,), jnp.float32)
        return 0
    lax.fori_loop(0, K, _zero_zbuf, 0)

    def _zero_acc(k, _):
        ch = sid + NS * k
        @pl.when(ch < NZCH)
        def _():
            pltpu.sync_copy(rows[0], acc_sh.at[pl.ds(ch * K, K), :])
        return 0
    lax.fori_loop(0, (NZCH + NS - 1) // NS, _zero_acc, 0)
    plsc.subcore_barrier()

    _wait_idx(0, 0)
    _issue_gather(0, 0)

    def _group(g, _):
        for u in range(6):
            j = 6 * g + u
            b2, b3, b6 = u % 2, u % 3, u
            n2, n3, n6 = (u + 1) % 2, (u + 1) % 3, (u + 1) % 6
            @pl.when(j + 1 < NCH)
            def _():
                _wait_idx(n2, n6)
                @pl.when(j >= 2)
                def _():
                    _wait_scatter(n3)
                _issue_gather(n3, n2)
            @pl.when(j < NCH)
            def _():
                _wait_gather(b3)
                _issue_scatter(b3, b6)
            @pl.when(j + 2 < NCH)
            def _():
                _load_idx(j + 2, b2, (u + 2) % 6)
        return 0
    lax.fori_loop(0, (NCH + 5) // 6, _group, 0)
    _wait_scatter((NCH - 3) % 3)
    _wait_scatter((NCH - 2) % 3)
    _wait_scatter((NCH - 1) % 3)
    plsc.subcore_barrier()

    def _writeout(k, _):
        ch = sid + NS * k
        @pl.when(ch < NZCH)
        def _():
            pltpu.sync_copy(acc_sh.at[pl.ds(ch * K, K), :],
                            part_hbm.at[cid, pl.ds(ch * K, K), :])
        return 0
    lax.fori_loop(0, (NZCH + NS - 1) // NS, _writeout, 0)


def _aggregate(y, src, et, dst):
    mesh = plsc.VectorSubcoreMesh(core_axis_name="c", subcore_axis_name="s")
    f = pl.kernel(
        _sc_body,
        out_type=jax.ShapeDtypeStruct((NC, ACC_R, C), jnp.float32),
        mesh=mesh,
        scratch_types=[
            [pltpu.VMEM((K,), jnp.int32)] * 2,
            [pltpu.VMEM((K,), jnp.int32)] * 2,
            [pltpu.VMEM((K,), jnp.int32)] * 6,
            [pltpu.VMEM((K, C), jnp.float32)] * 3,
            [pltpu.SemaphoreType.DMA] * 2,
            [pltpu.SemaphoreType.DMA] * 2,
            [pltpu.SemaphoreType.DMA] * 6,
            [pltpu.SemaphoreType.DMA] * 3,
            [pltpu.SemaphoreType.DMA] * 3,
            pltpu.VMEM_SHARED((ACC_R, C), jnp.float32),
        ],
    )
    return f(y, src, et, dst)


def _ep_body(p_ref, b_ref, o_ref):
    o_ref[...] = (p_ref[0] + p_ref[1]) * jnp.float32(1.0 / AVG) + b_ref[...]


def _epilogue(part, b2):
    return pl.pallas_call(
        _ep_body,
        grid=(NB,),
        in_specs=[
            pl.BlockSpec((NC, BN, C), lambda nb: (0, nb, 0)),
            pl.BlockSpec((1, C), lambda nb: (0, 0)),
        ],
        out_specs=pl.BlockSpec((BN, C), lambda nb: (nb, 0)),
        out_shape=jax.ShapeDtypeStruct((N, C), jnp.float32),
    )(part, b2)


def kernel(x, edge_index, edge_type, W, b):
    w3 = W.reshape(T, C, C)
    y = _compute_y(x, w3)
    part = _aggregate(y, edge_index[0], edge_type, edge_index[1])
    return _epilogue(part, b.reshape(1, C))

# --- scband reference (transcript-rebuilt; emitter-appended) ---
"""Pipeline reference for scband-graph-ounet-16973710754037 (READ-ONLY COPY).

The authoritative reference and input builder live on the scoring server;
editing this copy changes nothing except your own understanding.
"""

import jax, jax.numpy as jnp
import numpy as np

N_NODES = 10000
N_EDGES = 320000
N_EDGE_TYPE = 7
AVG_DEGREE = 7
C_IN = 128
C_OUT = 128


def setup_inputs(seed: int = 0) -> dict:
    key = jax.random.key(seed)
    k1, k2, k3, k4 = jax.random.split(key, 4)
    x = jax.random.normal(k1, (N_NODES, C_IN), dtype=jnp.float32)
    edge_index = jax.random.randint(k2, (2, N_EDGES), 0, N_NODES, dtype=jnp.int32)
    edge_type = jax.random.randint(k3, (N_EDGES,), 0, N_EDGE_TYPE, dtype=jnp.int32)
    # Learned parameters of the edge-typed GraphConv (first encoder conv of GraphOUNet):
    # weight folds the per-edge-type neighborhood basis: [n_edge_type * C_in, C_out]
    W = jax.random.normal(k4, (N_EDGE_TYPE * C_IN, C_OUT), dtype=jnp.float32) * 0.02
    b = jnp.zeros((C_OUT,), dtype=jnp.float32)
    return {"x": x, "edge_index": edge_index, "edge_type": edge_type, "W": W, "b": b}


def reference(x, edge_index, edge_type, W, b):
    # Edge-typed graph convolution (dual-octree GraphConv):
    # 1) gather source-node features along edges
    # 2) scatter-add them into per-(dst_node, edge_type) buckets
    # 3) dense contraction over the (edge_type * C_in) axis, normalized by avg_degree
    src = edge_index[0]
    dst = edge_index[1]
    feat = jnp.take(x, src, axis=0)                      # [E, C_in] gather
    seg = dst * N_EDGE_TYPE + edge_type                  # bucket id per edge
    col = jax.ops.segment_sum(feat, seg, num_segments=N_NODES * N_EDGE_TYPE)  # scatter-add
    col = col.reshape(N_NODES, N_EDGE_TYPE * C_IN)       # [N, n_edge_type*C_in]
    out = col @ W / AVG_DEGREE + b                       # [N, C_out]
    return out

if __name__ == "__main__":
    import jax
    _d = setup_inputs()
    print(jax.jit(kernel)(*tuple(_d.values())))

</pallas_src>

<mosaic_0001>
#map = affine_map<(d0, d1) -> (0, 0)>
#map1 = affine_map<(d0, d1) -> (0)>
#map2 = affine_map<(d0, d1) -> (0, 0, 0)>
module attributes {stable_mosaic.version = 14 : i64} {
  func.func @_sc_body(%arg0: i32, %arg1: i32, %arg2: memref<70000x128xf32, #tpu.memory_space<hbm>>, %arg3: memref<320000xi32, #tpu.memory_space<hbm>>, %arg4: memref<320000xi32, #tpu.memory_space<hbm>>, %arg5: memref<320000xi32, #tpu.memory_space<hbm>>, %arg6: memref<2x10000x128xf32, #tpu.memory_space<hbm>>, %arg7: memref<80xi32, #tpu.memory_space<vmem>>, %arg8: memref<80xi32, #tpu.memory_space<vmem>>, %arg9: memref<80xi32, #tpu.memory_space<vmem>>, %arg10: memref<80xi32, #tpu.memory_space<vmem>>, %arg11: memref<80xi32, #tpu.memory_space<vmem>>, %arg12: memref<80xi32, #tpu.memory_space<vmem>>, %arg13: memref<80xi32, #tpu.memory_space<vmem>>, %arg14: memref<80xi32, #tpu.memory_space<vmem>>, %arg15: memref<80xi32, #tpu.memory_space<vmem>>, %arg16: memref<80xi32, #tpu.memory_space<vmem>>, %arg17: memref<80x128xf32, #tpu.memory_space<vmem>>, %arg18: memref<80x128xf32, #tpu.memory_space<vmem>>, %arg19: memref<80x128xf32, #tpu.memory_space<vmem>>, %arg20: memref<!tpu.dma_semaphore, #tpu.memory_space<semaphore_mem>>, %arg21: memref<!tpu.dma_semaphore, #tpu.memory_space<semaphore_mem>>, %arg22: memref<!tpu.dma_semaphore, #tpu.memory_space<semaphore_mem>>, %arg23: memref<!tpu.dma_semaphore, #tpu.memory_space<semaphore_mem>>, %arg24: memref<!tpu.dma_semaphore, #tpu.memory_space<semaphore_mem>>, %arg25: memref<!tpu.dma_semaphore, #tpu.memory_space<semaphore_mem>>, %arg26: memref<!tpu.dma_semaphore, #tpu.memory_space<semaphore_mem>>, %arg27: memref<!tpu.dma_semaphore, #tpu.memory_space<semaphore_mem>>, %arg28: memref<!tpu.dma_semaphore, #tpu.memory_space<semaphore_mem>>, %arg29: memref<!tpu.dma_semaphore, #tpu.memory_space<semaphore_mem>>, %arg30: memref<!tpu.dma_semaphore, #tpu.memory_space<semaphore_mem>>, %arg31: memref<!tpu.dma_semaphore, #tpu.memory_space<semaphore_mem>>, %arg32: memref<!tpu.dma_semaphore, #tpu.memory_space<semaphore_mem>>, %arg33: memref<!tpu.dma_semaphore, #tpu.memory_space<semaphore_mem>>, %arg34: memref<!tpu.dma_semaphore, #tpu.memory_space<semaphore_mem>>, %arg35: memref<!tpu.dma_semaphore, #tpu.memory_space<semaphore_mem>>, %arg36: memref<10000x128xf32, #tpu.memory_space<vmem_shared>>) attributes {dimension_semantics = [#tpu.dimension_semantics<core_parallel>, #tpu.dimension_semantics<subcore_parallel>], iteration_bounds = array<i64: 2, 16>, scalar_prefetch = 0 : i64, scratch_operands = 30 : i64, tpu.core_type = #tpu.core_type<sc_vector_subcore>, window_params = [{transform_indices = #map}, {transform_indices = #map1}, {transform_indices = #map1}, {transform_indices = #map1}, {transform_indices = #map2}]} {
    %mul3A = arith.constant 2 : i32
    %mul3A_0 = arith.muli %arg1, %mul3A : i32
    %add3A = arith.addi %mul3A_0, %arg0 : i32
    %mul3A_1 = arith.constant 10000 : i32
    %mul3A_2 = arith.muli %add3A, %mul3A_1 : i32
    %add3A_3 = arith.constant 0 : i32
    %add3A_4 = arith.addi %mul3A_2, %add3A_3 : i32
    %dma_start3A = tpu.memref_slice %arg3[%add3A_4] : memref<320000xi32, #tpu.memory_space<hbm>> -> memref<80xi32, #tpu.memory_space<hbm>>
    %dma_start3A_5 = tpu.memref_slice %arg3[%add3A_4] : memref<320000xi32, #tpu.memory_space<hbm>> -> memref<80xi32, #tpu.memory_space<hbm>>
    tpu.enqueue_dma source(%dma_start3A_5 : memref<80xi32, #tpu.memory_space<hbm>>) target(%arg7 : memref<80xi32, #tpu.memory_space<vmem>>) target_semaphore(%arg20 : memref<!tpu.dma_semaphore, #tpu.memory_space<semaphore_mem>>)
    %dma_start3A_6 = tpu.memref_slice %arg4[%add3A_4] : memref<320000xi32, #tpu.memory_space<hbm>> -> memref<80xi32, #tpu.memory_space<hbm>>
    %dma_start3A_7 = tpu.memref_slice %arg4[%add3A_4] : memref<320000xi32, #tpu.memory_space<hbm>> -> memref<80xi32, #tpu.memory_space<hbm>>
    tpu.enqueue_dma source(%dma_start3A_7 : memref<80xi32, #tpu.memory_space<hbm>>) target(%arg9 : memref<80xi32, #tpu.memory_space<vmem>>) target_semaphore(%arg22 : memref<!tpu.dma_semaphore, #tpu.memory_space<semaphore_mem>>)
    %dma_start3A_8 = tpu.memref_slice %arg5[%add3A_4] : memref<320000xi32, #tpu.memory_space<hbm>> -> memref<80xi32, #tpu.memory_space<hbm>>
    %dma_start3A_9 = tpu.memref_slice %arg5[%add3A_4] : memref<320000xi32, #tpu.memory_space<hbm>> -> memref<80xi32, #tpu.memory_space<hbm>>
    tpu.enqueue_dma source(%dma_start3A_9 : memref<80xi32, #tpu.memory_space<hbm>>) target(%arg11 : memref<80xi32, #tpu.memory_space<vmem>>) target_semaphore(%arg24 : memref<!tpu.dma_semaphore, #tpu.memory_space<semaphore_mem>>)
    %add3A_10 = arith.constant 80 : i32
    %add3A_11 = arith.addi %mul3A_2, %add3A_10 : i32
    %dma_start3A_12 = tpu.memref_slice %arg3[%add3A_11] : memref<320000xi32, #tpu.memory_space<hbm>> -> memref<80xi32, #tpu.memory_space<hbm>>
    %dma_start3A_13 = tpu.memref_slice %arg3[%add3A_11] : memref<320000xi32, #tpu.memory_space<hbm>> -> memref<80xi32, #tpu.memory_space<hbm>>
    tpu.enqueue_dma source(%dma_start3A_13 : memref<80xi32, #tpu.memory_space<hbm>>) target(%arg8 : memref<80xi32, #tpu.memory_space<vmem>>) target_semaphore(%arg21 : memref<!tpu.dma_semaphore, #tpu.memory_space<semaphore_mem>>)
    %dma_start3A_14 = tpu.memref_slice %arg4[%add3A_11] : memref<320000xi32, #tpu.memory_space<hbm>> -> memref<80xi32, #tpu.memory_space<hbm>>
    %dma_start3A_15 = tpu.memref_slice %arg4[%add3A_11] : memref<320000xi32, #tpu.memory_space<hbm>> -> memref<80xi32, #tpu.memory_space<hbm>>
    tpu.enqueue_dma source(%dma_start3A_15 : memref<80xi32, #tpu.memory_space<hbm>>) target(%arg10 : memref<80xi32, #tpu.memory_space<vmem>>) target_semaphore(%arg23 : memref<!tpu.dma_semaphore, #tpu.memory_space<semaphore_mem>>)
    %dma_start3A_16 = tpu.memref_slice %arg5[%add3A_11] : memref<320000xi32, #tpu.memory_space<hbm>> -> memref<80xi32, #tpu.memory_space<hbm>>
    %dma_start3A_17 = tpu.memref_slice %arg5[%add3A_11] : memref<320000xi32, #tpu.memory_space<hbm>> -> memref<80xi32, #tpu.memory_space<hbm>>
    tpu.enqueue_dma source(%dma_start3A_17 : memref<80xi32, #tpu.memory_space<hbm>>) target(%arg12 : memref<80xi32, #tpu.memory_space<vmem>>) target_semaphore(%arg25 : memref<!tpu.dma_semaphore, #tpu.memory_space<semaphore_mem>>)
    %scan3A = arith.constant 0 : i32
    %scan3A_18 = arith.constant 0 : i32
    %scan3A_19 = arith.constant 80 : i32
    %scan3A_20 = arith.addi %scan3A_18, %scan3A_19 : i32
    %scan3A_21 = arith.constant 1 : i32
    %scan3A_22 = scf.for %scan3A_146 = %scan3A_18 to %scan3A_20 step %scan3A_21 iter_args(%scan3A_147 = %scan3A) -> (i32)  : i32 {
      %broadcast_in_dim3A = arith.constant 0.000000e+00 : f32
      %broadcast_in_dim3A_148 = vector.broadcast %broadcast_in_dim3A : f32 to vector<16xf32>
      %swap3A_149 = arith.index_cast %scan3A_146 : i32 to index
      %swap3A_150 = arith.constant 0 : index
      %swap3A_151 = tpu.vector_load %arg17[%swap3A_149, %swap3A_150] {strides = array<i32>} : memref<80x128xf32, #tpu.memory_space<vmem>>, vector<1x16xf32>,
      %swap3A_152 = vector.shape_cast %swap3A_151 : vector<1x16xf32> to vector<16xf32>
      %swap3A_153 = vector.shape_cast %broadcast_in_dim3A_148 : vector<16xf32> to vector<1x16xf32>
      tpu.vector_store %arg17[%swap3A_149, %swap3A_150], %swap3A_153 {strides = array<i32>} : memref<80x128xf32, #tpu.memory_space<vmem>>, vector<1x16xf32>,
      %broadcast_in_dim3A_154 = arith.constant 0.000000e+00 : f32
      %broadcast_in_dim3A_155 = vector.broadcast %broadcast_in_dim3A_154 : f32 to vector<16xf32>
      %swap3A_156 = arith.index_cast %scan3A_146 : i32 to index
      %swap3A_157 = arith.constant 16 : index
      %swap3A_158 = tpu.vector_load %arg17[%swap3A_156, %swap3A_157] {strides = array<i32>} : memref<80x128xf32, #tpu.memory_space<vmem>>, vector<1x16xf32>,
      %swap3A_159 = vector.shape_cast %swap3A_158 : vector<1x16xf32> to vector<16xf32>
      %swap3A_160 = vector.shape_cast %broadcast_in_dim3A_155 : vector<16xf32> to vector<1x16xf32>
      tpu.vector_store %arg17[%swap3A_156, %swap3A_157], %swap3A_160 {strides = array<i32>} : memref<80x128xf32, #tpu.memory_space<vmem>>, vector<1x16xf32>,
      %broadcast_in_dim3A_161 = arith.constant 0.000000e+00 : f32
      %broadcast_in_dim3A_162 = vector.broadcast %broadcast_in_dim3A_161 : f32 to vector<16xf32>
      %swap3A_163 = arith.index_cast %scan3A_146 : i32 to index
      %swap3A_164 = arith.constant 32 : index
      %swap3A_165 = tpu.vector_load %arg17[%swap3A_163, %swap3A_164] {strides = array<i32>} : memref<80x128xf32, #tpu.memory_space<vmem>>, vector<1x16xf32>,
      %swap3A_166 = vector.shape_cast %swap3A_165 : vector<1x16xf32> to vector<16xf32>
      %swap3A_167 = vector.shape_cast %broadcast_in_dim3A_162 : vector<16xf32> to vector<1x16xf32>
      tpu.vector_store %arg17[%swap3A_163, %swap3A_164], %swap3A_167 {strides = array<i32>} : memref<80x128xf32, #tpu.memory_space<vmem>>, vector<1x16xf32>,
      %broadcast_in_dim3A_168 = arith.constant 0.000000e+00 : f32
      %broadcast_in_dim3A_169 = vector.broadcast %broadcast_in_dim3A_168 : f32 to vector<16xf32>
      %swap3A_170 = arith.index_cast %scan3A_146 : i32 to index
      %swap3A_171 = arith.constant 48 : index
      %swap3A_172 = tpu.vector_load %arg17[%swap3A_170, %swap3A_171] {strides = array<i32>} : memref<80x128xf32, #tpu.memory_space<vmem>>, vector<1x16xf32>,
      %swap3A_173 = vector.shape_cast %swap3A_172 : vector<1x16xf32> to vector<16xf32>
      %swap3A_174 = vector.shape_cast %broadcast_in_dim3A_169 : vector<16xf32> to vector<1x16xf32>
      tpu.vector_store %arg17[%swap3A_170, %swap3A_171], %swap3A_174 {strides = array<i32>} : memref<80x128xf32, #tpu.memory_space<vmem>>, vector<1x16xf32>,
      %broadcast_in_dim3A_175 = arith.constant 0.000000e+00 : f32
      %broadcast_in_dim3A_176 = vector.broadcast %broadcast_in_dim3A_175 : f32 to vector<16xf32>
      %swap3A_177 = arith.index_cast %scan3A_146 : i32 to index
      %swap3A_178 = arith.constant 64 : index
      %swap3A_179 = tpu.vector_load %arg17[%swap3A_177, %swap3A_178] {strides = array<i32>} : memref<80x128xf32, #tpu.memory_space<vmem>>, vector<1x16xf32>,
      %swap3A_180 = vector.shape_cast %swap3A_179 : vector<1x16xf32> to vector<16xf32>
      %swap3A_181 = vector.shape_cast %broadcast_in_dim3A_176 : vector<16xf32> to vector<1x16xf32>
      tpu.vector_store %arg17[%swap3A_177, %swap3A_178], %swap3A_181 {strides = array<i32>} : memref<80x128xf32, #tpu.memory_space<vmem>>, vector<1x16xf32>,
      %broadcast_in_dim3A_182 = arith.constant 0.000000e+00 : f32
      %broadcast_in_dim3A_183 = vector.broadcast %broadcast_in_dim3A_182 : f32 to vector<16xf32>
      %swap3A_184 = arith.index_cast %scan3A_146 : i32 to index
      %swap3A_185 = arith.constant 80 : index
      %swap3A_186 = tpu.vector_load %arg17[%swap3A_184, %swap3A_185] {strides = array<i32>} : memref<80x128xf32, #tpu.memory_space<vmem>>, vector<1x16xf32>,
      %swap3A_187 = vector.shape_cast %swap3A_186 : vector<1x16xf32> to vector<16xf32>
      %swap3A_188 = vector.shape_cast %broadcast_in_dim3A_183 : vector<16xf32> to vector<1x16xf32>
      tpu.vector_store %arg17[%swap3A_184, %swap3A_185], %swap3A_188 {strides = array<i32>} : memref<80x128xf32, #tpu.memory_space<vmem>>, vector<1x16xf32>,
      %broadcast_in_dim3A_189 = arith.constant 0.000000e+00 : f32
      %broadcast_in_dim3A_190 = vector.broadcast %broadcast_in_dim3A_189 : f32 to vector<16xf32>
      %swap3A_191 = arith.index_cast %scan3A_146 : i32 to index
      %swap3A_192 = arith.constant 96 : index
      %swap3A_193 = tpu.vector_load %arg17[%swap3A_191, %swap3A_192] {strides = array<i32>} : memref<80x128xf32, #tpu.memory_space<vmem>>, vector<1x16xf32>,
      %swap3A_194 = vector.shape_cast %swap3A_193 : vector<1x16xf32> to vector<16xf32>
      %swap3A_195 = vector.shape_cast %broadcast_in_dim3A_190 : vector<16xf32> to vector<1x16xf32>
      tpu.vector_store %arg17[%swap3A_191, %swap3A_192], %swap3A_195 {strides = array<i32>} : memref<80x128xf32, #tpu.memory_space<vmem>>, vector<1x16xf32>,
      %broadcast_in_dim3A_196 = arith.constant 0.000000e+00 : f32
      %broadcast_in_dim3A_197 = vector.broadcast %broadcast_in_dim3A_196 : f32 to vector<16xf32>
      %swap3A_198 = arith.index_cast %scan3A_146 : i32 to index
      %swap3A_199 = arith.constant 112 : index
      %swap3A_200 = tpu.vector_load %arg17[%swap3A_198, %swap3A_199] {strides = array<i32>} : memref<80x128xf32, #tpu.memory_space<vmem>>, vector<1x16xf32>,
      %swap3A_201 = vector.shape_cast %swap3A_200 : vector<1x16xf32> to vector<16xf32>
      %swap3A_202 = vector.shape_cast %broadcast_in_dim3A_197 : vector<16xf32> to vector<1x16xf32>
      tpu.vector_store %arg17[%swap3A_198, %swap3A_199], %swap3A_202 {strides = array<i32>} : memref<80x128xf32, #tpu.memory_space<vmem>>, vector<1x16xf32>,
      %scan3A_203 = arith.constant 0 : i32
      scf.yield %scan3A_203 : i32
    }
    %scan3A_23 = arith.constant 80 : i32
    %scan3A_24 = arith.constant 0 : i32
    %scan3A_25 = arith.constant 0 : i32
    %scan3A_26 = arith.constant 8 : i32
    %scan3A_27 = arith.addi %scan3A_25, %scan3A_26 : i32
    %scan3A_28 = arith.constant 1 : i32
    %scan3A_29 = scf.for %scan3A_146 = %scan3A_25 to %scan3A_27 step %scan3A_28 iter_args(%scan3A_147 = %scan3A_24) -> (i32)  : i32 {
      %mul3A_148 = arith.constant 16 : i32
      %mul3A_149 = arith.muli %mul3A_148, %scan3A_146 : i32
      %add3A_150 = arith.addi %arg1, %mul3A_149 : i32
      %lt3A = arith.constant 125 : i32
      %lt3A_151 = arith.cmpi slt, %add3A_150, %lt3A : i32
      %convert_element_type3A = arith.extui %lt3A_151 : i1 to i32
      %cond3A = arith.constant 0 : i32
      %cond3A_152 = arith.cmpi ne, %convert_element_type3A, %cond3A : i32
      scf.if %cond3A_152 {
        %mul3A_154 = arith.constant 80 : i32
        %mul3A_155 = arith.muli %add3A_150, %mul3A_154 : i32
        "tpu.region"() ({
          %run_scoped3A = tpu.sem_alloc : memref<!tpu.dma_semaphore, #tpu.memory_space<semaphore_mem>>
          %dma_start3A_156 = arith.constant 0 : i32
          %dma_start3A_157 = tpu.memref_slice %arg36[%mul3A_155, %dma_start3A_156] : memref<10000x128xf32, #tpu.memory_space<vmem_shared>> -> memref<80x128xf32, #tpu.memory_space<vmem_shared>>
          %dma_start3A_158 = arith.constant 0 : i32
          %dma_start3A_159 = tpu.memref_slice %arg36[%mul3A_155, %dma_start3A_158] : memref<10000x128xf32, #tpu.memory_space<vmem_shared>> -> memref<80x128xf32, #tpu.memory_space<vmem_shared>>
          tpu.enqueue_dma source(%arg17 : memref<80x128xf32, #tpu.memory_space<vmem>>) target(%dma_start3A_159 : memref<80x128xf32, #tpu.memory_space<vmem_shared>>) target_semaphore(%run_scoped3A : memref<!tpu.dma_semaphore, #tpu.memory_space<semaphore_mem>>)
          %dma_wait3A_160 = arith.constant 0 : i32
          %dma_wait3A_161 = tpu.memref_slice %arg36[%mul3A_155, %dma_wait3A_160] : memref<10000x128xf32, #tpu.memory_space<vmem_shared>> -> memref<80x128xf32, #tpu.memory_space<vmem_shared>>
          %dma_wait3A_162 = arith.constant 0 : i32
          %dma_wait3A_163 = tpu.memref_slice %arg36[%mul3A_155, %dma_wait3A_162] : memref<10000x128xf32, #tpu.memory_space<vmem_shared>> -> memref<80x128xf32, #tpu.memory_space<vmem_shared>>
          tpu.wait_dma2 semaphore(%run_scoped3A : memref<!tpu.dma_semaphore, #tpu.memory_space<semaphore_mem>>) src(%arg17 : memref<80x128xf32, #tpu.memory_space<vmem>>) dst(%dma_wait3A_163 : memref<80x128xf32, #tpu.memory_space<vmem_shared>>)
          tpu.yield
        }) : () -> ()
      } else {
      }
      %scan3A_153 = arith.constant 0 : i32
      scf.yield %scan3A_153 : i32
    }
    %scan3A_30 = arith.constant 8 : i32
    %barrier3A = arith.constant 0 : index
    tpu.barrier barrier_id(%barrier3A)
    %dma_wait3A = arith.constant 0 : i32
    %dma_wait3A_31 = tpu.memref_slice %arg3[%dma_wait3A] : memref<320000xi32, #tpu.memory_space<hbm>> -> memref<80xi32, #tpu.memory_space<hbm>>
    %dma_wait3A_32 = arith.constant 0 : i32
    %dma_wait3A_33 = tpu.memref_slice %arg3[%dma_wait3A_32] : memref<320000xi32, #tpu.memory_space<hbm>> -> memref<80xi32, #tpu.memory_space<hbm>>
    tpu.wait_dma2 semaphore(%arg20 : memref<!tpu.dma_semaphore, #tpu.memory_space<semaphore_mem>>) src(%dma_wait3A_33 : memref<80xi32, #tpu.memory_space<hbm>>) dst(%arg7 : memref<80xi32, #tpu.memory_space<vmem>>)
    %dma_wait3A_34 = arith.constant 0 : i32
    %dma_wait3A_35 = tpu.memref_slice %arg4[%dma_wait3A_34] : memref<320000xi32, #tpu.memory_space<hbm>> -> memref<80xi32, #tpu.memory_space<hbm>>
    %dma_wait3A_36 = arith.constant 0 : i32
    %dma_wait3A_37 = tpu.memref_slice %arg4[%dma_wait3A_36] : memref<320000xi32, #tpu.memory_space<hbm>> -> memref<80xi32, #tpu.memory_space<hbm>>
    tpu.wait_dma2 semaphore(%arg22 : memref<!tpu.dma_semaphore, #tpu.memory_space<semaphore_mem>>) src(%dma_wait3A_37 : memref<80xi32, #tpu.memory_space<hbm>>) dst(%arg9 : memref<80xi32, #tpu.memory_space<vmem>>)
    %dma_wait3A_38 = arith.constant 0 : i32
    %dma_wait3A_39 = tpu.memref_slice %arg5[%dma_wait3A_38] : memref<320000xi32, #tpu.memory_space<hbm>> -> memref<80xi32, #tpu.memory_space<hbm>>
    %dma_wait3A_40 = arith.constant 0 : i32
    %dma_wait3A_41 = tpu.memref_slice %arg5[%dma_wait3A_40] : memref<320000xi32, #tpu.memory_space<hbm>> -> memref<80xi32, #tpu.memory_space<hbm>>
    tpu.wait_dma2 semaphore(%arg24 : memref<!tpu.dma_semaphore, #tpu.memory_space<semaphore_mem>>) src(%dma_wait3A_41 : memref<80xi32, #tpu.memory_space<hbm>>) dst(%arg11 : memref<80xi32, #tpu.memory_space<vmem>>)
    %get3A = arith.constant 0 : index
    %get3A_42 = tpu.vector_load %arg9[%get3A] {strides = array<i32>} : memref<80xi32, #tpu.memory_space<vmem>>, vector<16xi32>,
    %get3A_43 = vector.shape_cast %get3A_42 : vector<16xi32> to vector<16xi32>
    %mul3A_44 = arith.constant 10000 : i32
    %mul3A_45 = vector.broadcast %mul3A_44 : i32 to vector<16xi32>
    %mul3A_46 = arith.muli %get3A_43, %mul3A_45 : vector<16xi32>
    %get3A_47 = arith.constant 0 : index
    %get3A_48 = tpu.vector_load %arg7[%get3A_47] {strides = array<i32>} : memref<80xi32, #tpu.memory_space<vmem>>, vector<16xi32>,
    %get3A_49 = vector.shape_cast %get3A_48 : vector<16xi32> to vector<16xi32>
    %add3A_50 = arith.addi %mul3A_46, %get3A_49 : vector<16xi32>
    %swap3A = arith.constant 0 : index
    %swap3A_51 = tpu.vector_load %arg7[%swap3A] {strides = array<i32>} : memref<80xi32, #tpu.memory_space<vmem>>, vector<16xi32>,
    %swap3A_52 = vector.shape_cast %swap3A_51 : vector<16xi32> to vector<16xi32>
    %swap3A_53 = vector.shape_cast %add3A_50 : vector<16xi32> to vector<16xi32>
    tpu.vector_store %arg7[%swap3A], %swap3A_53 {strides = array<i32>} : memref<80xi32, #tpu.memory_space<vmem>>, vector<16xi32>,
    %get3A_54 = arith.constant 16 : index
    %get3A_55 = tpu.vector_load %arg9[%get3A_54] {strides = array<i32>} : memref<80xi32, #tpu.memory_space<vmem>>, vector<16xi32>,
    %get3A_56 = vector.shape_cast %get3A_55 : vector<16xi32> to vector<16xi32>
    %mul3A_57 = arith.constant 10000 : i32
    %mul3A_58 = vector.broadcast %mul3A_57 : i32 to vector<16xi32>
    %mul3A_59 = arith.muli %get3A_56, %mul3A_58 : vector<16xi32>
    %get3A_60 = arith.constant 16 : index
    %get3A_61 = tpu.vector_load %arg7[%get3A_60] {strides = array<i32>} : memref<80xi32, #tpu.memory_space<vmem>>, vector<16xi32>,
    %get3A_62 = vector.shape_cast %get3A_61 : vector<16xi32> to vector<16xi32>
    %add3A_63 = arith.addi %mul3A_59, %get3A_62 : vector<16xi32>
    %swap3A_64 = arith.constant 16 : index
    %swap3A_65 = tpu.vector_load %arg7[%swap3A_64] {strides = array<i32>} : memref<80xi32, #tpu.memory_space<vmem>>, vector<16xi32>,
    %swap3A_66 = vector.shape_cast %swap3A_65 : vector<16xi32> to vector<16xi32>
    %swap3A_67 = vector.shape_cast %add3A_63 : vector<16xi32> to vector<16xi32>
    tpu.vector_store %arg7[%swap3A_64], %swap3A_67 {strides = array<i32>} : memref<80xi32, #tpu.memory_space<vmem>>, vector<16xi32>,
    %get3A_68 = arith.constant 32 : index
    %get3A_69 = tpu.vector_load %arg9[%get3A_68] {strides = array<i32>} : memref<80xi32, #tpu.memory_space<vmem>>, vector<16xi32>,
    %get3A_70 = vector.shape_cast %get3A_69 : vector<16xi32> to vector<16xi32>
    %mul3A_71 = arith.constant 10000 : i32
    %mul3A_72 = vector.broadcast %mul3A_71 : i32 to vector<16xi32>
    %mul3A_73 = arith.muli %get3A_70, %mul3A_72 : vector<16xi32>
    %get3A_74 = arith.constant 32 : index
    %get3A_75 = tpu.vector_load %arg7[%get3A_74] {strides = array<i32>} : memref<80xi32, #tpu.memory_space<vmem>>, vector<16xi32>,
    %get3A_76 = vector.shape_cast %get3A_75 : vector<16xi32> to vector<16xi32>
    %add3A_77 = arith.addi %mul3A_73, %get3A_76 : vector<16xi32>
    %swap3A_78 = arith.constant 32 : index
    %swap3A_79 = tpu.vector_load %arg7[%swap3A_78] {strides = array<i32>} : memref<80xi32, #tpu.memory_space<vmem>>, vector<16xi32>,
    %swap3A_80 = vector.shape_cast %swap3A_79 : vector<16xi32> to vector<16xi32>
    %swap3A_81 = vector.shape_cast %add3A_77 : vector<16xi32> to vector<16xi32>
    tpu.vector_store %arg7[%swap3A_78], %swap3A_81 {strides = array<i32>} : memref<80xi32, #tpu.memory_space<vmem>>, vector<16xi32>,
    %get3A_82 = arith.constant 48 : index
    %get3A_83 = tpu.vector_load %arg9[%get3A_82] {strides = array<i32>} : memref<80xi32, #tpu.memory_space<vmem>>, vector<16xi32>,
    %get3A_84 = vector.shape_cast %get3A_83 : vector<16xi32> to vector<16xi32>
    %mul3A_85 = arith.constant 10000 : i32
    %mul3A_86 = vector.broadcast %mul3A_85 : i32 to vector<16xi32>
    %mul3A_87 = arith.muli %get3A_84, %mul3A_86 : vector<16xi32>
    %get3A_88 = arith.constant 48 : index
    %get3A_89 = tpu.vector_load %arg7[%get3A_88] {strides = array<i32>} : memref<80xi32, #tpu.memory_space<vmem>>, vector<16xi32>,
    %get3A_90 = vector.shape_cast %get3A_89 : vector<16xi32> to vector<16xi32>
    %add3A_91 = arith.addi %mul3A_87, %get3A_90 : vector<16xi32>
    %swap3A_92 = arith.constant 48 : index
    %swap3A_93 = tpu.vector_load %arg7[%swap3A_92] {strides = array<i32>} : memref<80xi32, #tpu.memory_space<vmem>>, vector<16xi32>,
    %swap3A_94 = vector.shape_cast %swap3A_93 : vector<16xi32> to vector<16xi32>
    %swap3A_95 = vector.shape_cast %add3A_91 : vector<16xi32> to vector<16xi32>
    tpu.vector_store %arg7[%swap3A_92], %swap3A_95 {strides = array<i32>} : memref<80xi32, #tpu.memory_space<vmem>>, vector<16xi32>,
    %get3A_96 = arith.constant 64 : index
    %get3A_97 = tpu.vector_load %arg9[%get3A_96] {strides = array<i32>} : memref<80xi32, #tpu.memory_space<vmem>>, vector<16xi32>,
    %get3A_98 = vector.shape_cast %get3A_97 : vector<16xi32> to vector<16xi32>
    %mul3A_99 = arith.constant 10000 : i32
    %mul3A_100 = vector.broadcast %mul3A_99 : i32 to vector<16xi32>
    %mul3A_101 = arith.muli %get3A_98, %mul3A_100 : vector<16xi32>
    %get3A_102 = arith.constant 64 : index
    %get3A_103 = tpu.vector_load %arg7[%get3A_102] {strides = array<i32>} : memref<80xi32, #tpu.memory_space<vmem>>, vector<16xi32>,
    %get3A_104 = vector.shape_cast %get3A_103 : vector<16xi32> to vector<16xi32>
    %add3A_105 = arith.addi %mul3A_101, %get3A_104 : vector<16xi32>
    %swap3A_106 = arith.constant 64 : index
    %swap3A_107 = tpu.vector_load %arg7[%swap3A_106] {strides = array<i32>} : memref<80xi32, #tpu.memory_space<vmem>>, vector<16xi32>,
    %swap3A_108 = vector.shape_cast %swap3A_107 : vector<16xi32> to vector<16xi32>
    %swap3A_109 = vector.shape_cast %add3A_105 : vector<16xi32> to vector<16xi32>
    tpu.vector_store %arg7[%swap3A_106], %swap3A_109 {strides = array<i32>} : memref<80xi32, #tpu.memory_space<vmem>>, vector<16xi32>,
    %dma_start3A_110 = arith.constant 0 : i32
    %dma_start3A_111 = arith.constant 0 : i32
    %dma_start3A_112 = tpu.memref_slice %arg2[%dma_start3A_110, %dma_start3A_111] : memref<70000x128xf32, #tpu.memory_space<hbm>> -> memref<70000x128xf32, #tpu.memory_space<hbm>>
    tpu.enqueue_indirect_dma source(%dma_start3A_112 : memref<70000x128xf32, #tpu.memory_space<hbm>>) target(%arg17 : memref<80x128xf32, #tpu.memory_space<vmem>>) offsets(%arg7 : memref<80xi32, #tpu.memory_space<vmem>>) semaphore(%arg30 : memref<!tpu.dma_semaphore, #tpu.memory_space<semaphore_mem>>)
    %scan3A_113 = arith.constant 0 : i32
    %scan3A_114 = arith.constant 0 : i32
    %scan3A_115 = arith.constant 21 : i32
    %scan3A_116 = arith.addi %scan3A_114, %scan3A_115 : i32
    %scan3A_117 = arith.constant 1 : i32
    %scan3A_118 = scf.for %scan3A_146 = %scan3A_114 to %scan3A_116 step %scan3A_117 iter_args(%scan3A_147 = %scan3A_113) -> (i32)  : i32 {
      %mul3A_148 = arith.constant 6 : i32
      %mul3A_149 = arith.muli %mul3A_148, %scan3A_146 : i32
      %add3A_150 = arith.constant 0 : i32
      %add3A_151 = arith.addi %mul3A_149, %add3A_150 : i32
      %add3A_152 = arith.constant 1 : i32
      %add3A_153 = arith.addi %add3A_151, %add3A_152 : i32
      %lt3A = arith.constant 125 : i32
      %lt3A_154 = arith.cmpi slt, %add3A_153, %lt3A : i32
      %convert_element_type3A = arith.extui %lt3A_154 : i1 to i32
      %cond3A = arith.constant 0 : i32
      %cond3A_155 = arith.cmpi ne, %convert_element_type3A, %cond3A : i32
      scf.if %cond3A_155 {
        %dma_wait3A_284 = arith.constant 0 : i32
        %dma_wait3A_285 = tpu.memref_slice %arg3[%dma_wait3A_284] : memref<320000xi32, #tpu.memory_space<hbm>> -> memref<80xi32, #tpu.memory_space<hbm>>
        %dma_wait3A_286 = arith.constant 0 : i32
        %dma_wait3A_287 = tpu.memref_slice %arg3[%dma_wait3A_286] : memref<320000xi32, #tpu.memory_space<hbm>> -> memref<80xi32, #tpu.memory_space<hbm>>
        tpu.wait_dma2 semaphore(%arg21 : memref<!tpu.dma_semaphore, #tpu.memory_space<semaphore_mem>>) src(%dma_wait3A_287 : memref<80xi32, #tpu.memory_space<hbm>>) dst(%arg8 : memref<80xi32, #tpu.memory_space<vmem>>)
        %dma_wait3A_288 = arith.constant 0 : i32
        %dma_wait3A_289 = tpu.memref_slice %arg4[%dma_wait3A_288] : memref<320000xi32, #tpu.memory_space<hbm>> -> memref<80xi32, #tpu.memory_space<hbm>>
        %dma_wait3A_290 = arith.constant 0 : i32
        %dma_wait3A_291 = tpu.memref_slice %arg4[%dma_wait3A_290] : memref<320000xi32, #tpu.memory_space<hbm>> -> memref<80xi32, #tpu.memory_space<hbm>>
        tpu.wait_dma2 semaphore(%arg23 : memref<!tpu.dma_semaphore, #tpu.memory_space<semaphore_mem>>) src(%dma_wait3A_291 : memref<80xi32, #tpu.memory_space<hbm>>) dst(%arg10 : memref<80xi32, #tpu.memory_space<vmem>>)
        %dma_wait3A_292 = arith.constant 0 : i32
        %dma_wait3A_293 = tpu.memref_slice %arg5[%dma_wait3A_292] : memref<320000xi32, #tpu.memory_space<hbm>> -> memref<80xi32, #tpu.memory_space<hbm>>
        %dma_wait3A_294 = arith.constant 0 : i32
        %dma_wait3A_295 = tpu.memref_slice %arg5[%dma_wait3A_294] : memref<320000xi32, #tpu.memory_space<hbm>> -> memref<80xi32, #tpu.memory_space<hbm>>
        tpu.wait_dma2 semaphore(%arg25 : memref<!tpu.dma_semaphore, #tpu.memory_space<semaphore_mem>>) src(%dma_wait3A_295 : memref<80xi32, #tpu.memory_space<hbm>>) dst(%arg12 : memref<80xi32, #tpu.memory_space<vmem>>)
        %get3A_296 = arith.constant 0 : index
        %get3A_297 = tpu.vector_load %arg10[%get3A_296] {strides = array<i32>} : memref<80xi32, #tpu.memory_space<vmem>>, vector<16xi32>,
        %get3A_298 = vector.shape_cast %get3A_297 : vector<16xi32> to vector<16xi32>
        %mul3A_299 = arith.constant 10000 : i32
        %mul3A_300 = vector.broadcast %mul3A_299 : i32 to vector<16xi32>
        %mul3A_301 = arith.muli %get3A_298, %mul3A_300 : vector<16xi32>
        %get3A_302 = arith.constant 0 : index
        %get3A_303 = tpu.vector_load %arg8[%get3A_302] {strides = array<i32>} : memref<80xi32, #tpu.memory_space<vmem>>, vector<16xi32>,
        %get3A_304 = vector.shape_cast %get3A_303 : vector<16xi32> to vector<16xi32>
        %add3A_305 = arith.addi %mul3A_301, %get3A_304 : vector<16xi32>
        %swap3A_306 = arith.constant 0 : index
        %swap3A_307 = tpu.vector_load %arg8[%swap3A_306] {strides = array<i32>} : memref<80xi32, #tpu.memory_space<vmem>>, vector<16xi32>,
        %swap3A_308 = vector.shape_cast %swap3A_307 : vector<16xi32> to vector<16xi32>
        %swap3A_309 = vector.shape_cast %add3A_305 : vector<16xi32> to vector<16xi32>
        tpu.vector_store %arg8[%swap3A_306], %swap3A_309 {strides = array<i32>} : memref<80xi32, #tpu.memory_space<vmem>>, vector<16xi32>,
        %get3A_310 = arith.constant 16 : index
        %get3A_311 = tpu.vector_load %arg10[%get3A_310] {strides = array<i32>} : memref<80xi32, #tpu.memory_space<vmem>>, vector<16xi32>,
        %get3A_312 = vector.shape_cast %get3A_311 : vector<16xi32> to vector<16xi32>
        %mul3A_313 = arith.constant 10000 : i32
        %mul3A_314 = vector.broadcast %mul3A_313 : i32 to vector<16xi32>
        %mul3A_315 = arith.muli %get3A_312, %mul3A_314 : vector<16xi32>
        %get3A_316 = arith.constant 16 : index
        %get3A_317 = tpu.vector_load %arg8[%get3A_316] {strides = array<i32>} : memref<80xi32, #tpu.memory_space<vmem>>, vector<16xi32>,
        %get3A_318 = vector.shape_cast %get3A_317 : vector<16xi32> to vector<16xi32>
        %add3A_319 = arith.addi %mul3A_315, %get3A_318 : vector<16xi32>
        %swap3A_320 = arith.constant 16 : index
        %swap3A_321 = tpu.vector_load %arg8[%swap3A_320] {strides = array<i32>} : memref<80xi32, #tpu.memory_space<vmem>>, vector<16xi32>,
        %swap3A_322 = vector.shape_cast %swap3A_321 : vector<16xi32> to vector<16xi32>
        %swap3A_323 = vector.shape_cast %add3A_319 : vector<16xi32> to vector<16xi32>
        tpu.vector_store %arg8[%swap3A_320], %swap3A_323 {strides = array<i32>} : memref<80xi32, #tpu.memory_space<vmem>>, vector<16xi32>,
        %get3A_324 = arith.constant 32 : index
        %get3A_325 = tpu.vector_load %arg10[%get3A_324] {strides = array<i32>} : memref<80xi32, #tpu.memory_space<vmem>>, vector<16xi32>,
        %get3A_326 = vector.shape_cast %get3A_325 : vector<16xi32> to vector<16xi32>
        %mul3A_327 = arith.constant 10000 : i32
        %mul3A_328 = vector.broadcast %mul3A_327 : i32 to vector<16xi32>
        %mul3A_329 = arith.muli %get3A_326, %mul3A_328 : vector<16xi32>
        %get3A_330 = arith.constant 32 : index
        %get3A_331 = tpu.vector_load %arg8[%get3A_330] {strides = array<i32>} : memref<80xi32, #tpu.memory_space<vmem>>, vector<16xi32>,
        %get3A_332 = vector.shape_cast %get3A_331 : vector<16xi32> to vector<16xi32>
        %add3A_333 = arith.addi %mul3A_329, %get3A_332 : vector<16xi32>
        %swap3A_334 = arith.constant 32 : index
        %swap3A_335 = tpu.vector_load %arg8[%swap3A_334] {strides = array<i32>} : memref<80xi32, #tpu.memory_space<vmem>>, vector<16xi32>,
        %swap3A_336 = vector.shape_cast %swap3A_335 : vector<16xi32> to vector<16xi32>
        %swap3A_337 = vector.shape_cast %add3A_333 : vector<16xi32> to vector<16xi32>
        tpu.vector_store %arg8[%swap3A_334], %swap3A_337 {strides = array<i32>} : memref<80xi32, #tpu.memory_space<vmem>>, vector<16xi32>,
        %get3A_338 = arith.constant 48 : index
        %get3A_339 = tpu.vector_load %arg10[%get3A_338] {strides = array<i32>} : memref<80xi32, #tpu.memory_space<vmem>>, vector<16xi32>,
        %get3A_340 = vector.shape_cast %get3A_339 : vector<16xi32> to vector<16xi32>
        %mul3A_341 = arith.constant 10000 : i32
        %mul3A_342 = vector.broadcast %mul3A_341 : i32 to vector<16xi32>
        %mul3A_343 = arith.muli %get3A_340, %mul3A_342 : vector<16xi32>
        %get3A_344 = arith.constant 48 : index
        %get3A_345 = tpu.vector_load %arg8[%get3A_344] {strides = array<i32>} : memref<80xi32, #tpu.memory_space<vmem>>, vector<16xi32>,
        %get3A_346 = vector.shape_cast %get3A_345 : vector<16xi32> to vector<16xi32>
        %add3A_347 = arith.addi %mul3A_343, %get3A_346 : vector<16xi32>
        %swap3A_348 = arith.constant 48 : index
        %swap3A_349 = tpu.vector_load %arg8[%swap3A_348] {strides = array<i32>} : memref<80xi32, #tpu.memory_space<vmem>>, vector<16xi32>,
        %swap3A_350 = vector.shape_cast %swap3A_349 : vector<16xi32> to vector<16xi32>
        %swap3A_351 = vector.shape_cast %add3A_347 : vector<16xi32> to vector<16xi32>
        tpu.vector_store %arg8[%swap3A_348], %swap3A_351 {strides = array<i32>} : memref<80xi32, #tpu.memory_space<vmem>>, vector<16xi32>,
        %get3A_352 = arith.constant 64 : index
        %get3A_353 = tpu.vector_load %arg10[%get3A_352] {strides = array<i32>} : memref<80xi32, #tpu.memory_space<vmem>>, vector<16xi32>,
        %get3A_354 = vector.shape_cast %get3A_353 : vector<16xi32> to vector<16xi32>
        %mul3A_355 = arith.constant 10000 : i32
        %mul3A_356 = vector.broadcast %mul3A_355 : i32 to vector<16xi32>
        %mul3A_357 = arith.muli %get3A_354, %mul3A_356 : vector<16xi32>
        %get3A_358 = arith.constant 64 : index
        %get3A_359 = tpu.vector_load %arg8[%get3A_358] {strides = array<i32>} : memref<80xi32, #tpu.memory_space<vmem>>, vector<16xi32>,
        %get3A_360 = vector.shape_cast %get3A_359 : vector<16xi32> to vector<16xi32>
        %add3A_361 = arith.addi %mul3A_357, %get3A_360 : vector<16xi32>
        %swap3A_362 = arith.constant 64 : index
        %swap3A_363 = tpu.vector_load %arg8[%swap3A_362] {strides = array<i32>} : memref<80xi32, #tpu.memory_space<vmem>>, vector<16xi32>,
        %swap3A_364 = vector.shape_cast %swap3A_363 : vector<16xi32> to vector<16xi32>
        %swap3A_365 = vector.shape_cast %add3A_361 : vector<16xi32> to vector<16xi32>
        tpu.vector_store %arg8[%swap3A_362], %swap3A_365 {strides = array<i32>} : memref<80xi32, #tpu.memory_space<vmem>>, vector<16xi32>,
        %ge3A = arith.constant 2 : i32
        %ge3A_366 = arith.cmpi sge, %add3A_151, %ge3A : i32
        %convert_element_type3A_367 = arith.extui %ge3A_366 : i1 to i32
        %cond3A_368 = arith.constant 0 : i32
        %cond3A_369 = arith.cmpi ne, %convert_element_type3A_367, %cond3A_368 : i32
        scf.if %cond3A_369 {
          %dma_wait3A_373 = arith.constant 0 : i32
          %dma_wait3A_374 = arith.constant 0 : i32
          %dma_wait3A_375 = tpu.memref_slice %arg36[%dma_wait3A_373, %dma_wait3A_374] : memref<10000x128xf32, #tpu.memory_space<vmem_shared>> -> memref<80x128xf32, #tpu.memory_space<vmem_shared>>
          %dma_wait3A_376 = arith.constant 0 : i32
          %dma_wait3A_377 = arith.constant 0 : i32
          %dma_wait3A_378 = tpu.memref_slice %arg36[%dma_wait3A_376, %dma_wait3A_377] : memref<10000x128xf32, #tpu.memory_space<vmem_shared>> -> memref<80x128xf32, #tpu.memory_space<vmem_shared>>
          tpu.wait_dma2 semaphore(%arg34 : memref<!tpu.dma_semaphore, #tpu.memory_space<semaphore_mem>>) src(%arg18 : memref<80x128xf32, #tpu.memory_space<vmem>>) dst(%dma_wait3A_378 : memref<80x128xf32, #tpu.memory_space<vmem_shared>>)
        } else {
        }
        %dma_start3A_370 = arith.constant 0 : i32
        %dma_start3A_371 = arith.constant 0 : i32
        %dma_start3A_372 = tpu.memref_slice %arg2[%dma_start3A_370, %dma_start3A_371] : memref<70000x128xf32, #tpu.memory_space<hbm>> -> memref<70000x128xf32, #tpu.memory_space<hbm>>
        tpu.enqueue_indirect_dma source(%dma_start3A_372 : memref<70000x128xf32, #tpu.memory_space<hbm>>) target(%arg18 : memref<80x128xf32, #tpu.memory_space<vmem>>) offsets(%arg8 : memref<80xi32, #tpu.memory_space<vmem>>) semaphore(%arg31 : memref<!tpu.dma_semaphore, #tpu.memory_space<semaphore_mem>>)
      } else {
      }
      %lt3A_156 = arith.constant 125 : i32
      %lt3A_157 = arith.cmpi slt, %add3A_151, %lt3A_156 : i32
      %convert_element_type3A_158 = arith.extui %lt3A_157 : i1 to i32
      %cond3A_159 = arith.constant 0 : i32
      %cond3A_160 = arith.cmpi ne, %convert_element_type3A_158, %cond3A_159 : i32
      scf.if %cond3A_160 {
        %dma_wait3A_284 = arith.constant 0 : i32
        %dma_wait3A_285 = arith.constant 0 : i32
        %dma_wait3A_286 = tpu.memref_slice %arg2[%dma_wait3A_284, %dma_wait3A_285] : memref<70000x128xf32, #tpu.memory_space<hbm>> -> memref<80x128xf32, #tpu.memory_space<hbm>>
        %dma_wait3A_287 = arith.constant 0 : i32
        %dma_wait3A_288 = arith.constant 0 : i32
        %dma_wait3A_289 = tpu.memref_slice %arg2[%dma_wait3A_287, %dma_wait3A_288] : memref<70000x128xf32, #tpu.memory_space<hbm>> -> memref<80x128xf32, #tpu.memory_space<hbm>>
        tpu.wait_dma2 semaphore(%arg30 : memref<!tpu.dma_semaphore, #tpu.memory_space<semaphore_mem>>) src(%dma_wait3A_289 : memref<80x128xf32, #tpu.memory_space<hbm>>) dst(%arg17 : memref<80x128xf32, #tpu.memory_space<vmem>>)
        %dma_start3A_290 = arith.constant 0 : i32
        %dma_start3A_291 = arith.constant 0 : i32
        %dma_start3A_292 = tpu.memref_slice %arg36[%dma_start3A_290, %dma_start3A_291] : memref<10000x128xf32, #tpu.memory_space<vmem_shared>> -> memref<10000x128xf32, #tpu.memory_space<vmem_shared>>
        tpu.enqueue_indirect_dma source(%arg17 : memref<80x128xf32, #tpu.memory_space<vmem>>) target(%dma_start3A_292 : memref<10000x128xf32, #tpu.memory_space<vmem_shared>>) offsets(%arg11 : memref<80xi32, #tpu.memory_space<vmem>>) semaphore(%arg33 : memref<!tpu.dma_semaphore, #tpu.memory_space<semaphore_mem>>) {add = true}
      } else {
      }
      %add3A_161 = arith.constant 2 : i32
      %add3A_162 = arith.addi %add3A_151, %add3A_161 : i32
      %lt3A_163 = arith.constant 125 : i32
      %lt3A_164 = arith.cmpi slt, %add3A_162, %lt3A_163 : i32
      %convert_element_type3A_165 = arith.extui %lt3A_164 : i1 to i32
      %cond3A_166 = arith.constant 0 : i32
      %cond3A_167 = arith.cmpi ne, %convert_element_type3A_165, %cond3A_166 : i32
      scf.if %cond3A_167 {
        %add3A_284 = arith.constant 2 : i32
        %add3A_285 = arith.addi %add3A_151, %add3A_284 : i32
        %mul3A_286 = arith.constant 80 : i32
        %mul3A_287 = arith.muli %add3A_285, %mul3A_286 : i32
        %add3A_288 = arith.addi %mul3A_2, %mul3A_287 : i32
        %dma_start3A_289 = tpu.memref_slice %arg3[%add3A_288] : memref<320000xi32, #tpu.memory_space<hbm>> -> memref<80xi32, #tpu.memory_space<hbm>>
        %dma_start3A_290 = tpu.memref_slice %arg3[%add3A_288] : memref<320000xi32, #tpu.memory_space<hbm>> -> memref<80xi32, #tpu.memory_space<hbm>>
        tpu.enqueue_dma source(%dma_start3A_290 : memref<80xi32, #tpu.memory_space<hbm>>) target(%arg7 : memref<80xi32, #tpu.memory_space<vmem>>) target_semaphore(%arg20 : memref<!tpu.dma_semaphore, #tpu.memory_space<semaphore_mem>>)
        %dma_start3A_291 = tpu.memref_slice %arg4[%add3A_288] : memref<320000xi32, #tpu.memory_space<hbm>> -> memref<80xi32, #tpu.memory_space<hbm>>
        %dma_start3A_292 = tpu.memref_slice %arg4[%add3A_288] : memref<320000xi32, #tpu.memory_space<hbm>> -> memref<80xi32, #tpu.memory_space<hbm>>
        tpu.enqueue_dma source(%dma_start3A_292 : memref<80xi32, #tpu.memory_space<hbm>>) target(%arg9 : memref<80xi32, #tpu.memory_space<vmem>>) target_semaphore(%arg22 : memref<!tpu.dma_semaphore, #tpu.memory_space<semaphore_mem>>)
        %dma_start3A_293 = tpu.memref_slice %arg5[%add3A_288] : memref<320000xi32, #tpu.memory_space<hbm>> -> memref<80xi32, #tpu.memory_space<hbm>>
        %dma_start3A_294 = tpu.memref_slice %arg5[%add3A_288] : memref<320000xi32, #tpu.memory_space<hbm>> -> memref<80xi32, #tpu.memory_space<hbm>>
        tpu.enqueue_dma source(%dma_start3A_294 : memref<80xi32, #tpu.memory_space<hbm>>) target(%arg13 : memref<80xi32, #tpu.memory_space<vmem>>) target_semaphore(%arg26 : memref<!tpu.dma_semaphore, #tpu.memory_space<semaphore_mem>>)
      } else {
      }
      %mul3A_168 = arith.constant 6 : i32
      %mul3A_169 = arith.muli %mul3A_168, %scan3A_146 : i32
      %add3A_170 = arith.constant 1 : i32
      %add3A_171 = arith.addi %mul3A_169, %add3A_170 : i32
      %add3A_172 = arith.constant 1 : i32
      %add3A_173 = arith.addi %add3A_171, %add3A_172 : i32
      %lt3A_174 = arith.constant 125 : i32
      %lt3A_175 = arith.cmpi slt, %add3A_173, %lt3A_174 : i32
      %convert_element_type3A_176 = arith.extui %lt3A_175 : i1 to i32
      %cond3A_177 = arith.constant 0 : i32
      %cond3A_178 = arith.cmpi ne, %convert_element_type3A_176, %cond3A_177 : i32
      scf.if %cond3A_178 {
        %dma_wait3A_284 = arith.constant 0 : i32
        %dma_wait3A_285 = tpu.memref_slice %arg3[%dma_wait3A_284] : memref<320000xi32, #tpu.memory_space<hbm>> -> memref<80xi32, #tpu.memory_space<hbm>>
        %dma_wait3A_286 = arith.constant 0 : i32
        %dma_wait3A_287 = tpu.memref_slice %arg3[%dma_wait3A_286] : memref<320000xi32, #tpu.memory_space<hbm>> -> memref<80xi32, #tpu.memory_space<hbm>>
        tpu.wait_dma2 semaphore(%arg20 : memref<!tpu.dma_semaphore, #tpu.memory_space<semaphore_mem>>) src(%dma_wait3A_287 : memref<80xi32, #tpu.memory_space<hbm>>) dst(%arg7 : memref<80xi32, #tpu.memory_space<vmem>>)
        %dma_wait3A_288 = arith.constant 0 : i32
        %dma_wait3A_289 = tpu.memref_slice %arg4[%dma_wait3A_288] : memref<320000xi32, #tpu.memory_space<hbm>> -> memref<80xi32, #tpu.memory_space<hbm>>
        %dma_wait3A_290 = arith.constant 0 : i32
        %dma_wait3A_291 = tpu.memref_slice %arg4[%dma_wait3A_290] : memref<320000xi32, #tpu.memory_space<hbm>> -> memref<80xi32, #tpu.memory_space<hbm>>
        tpu.wait_dma2 semaphore(%arg22 : memref<!tpu.dma_semaphore, #tpu.memory_space<semaphore_mem>>) src(%dma_wait3A_291 : memref<80xi32, #tpu.memory_space<hbm>>) dst(%arg9 : memref<80xi32, #tpu.memory_space<vmem>>)
        %dma_wait3A_292 = arith.constant 0 : i32
        %dma_wait3A_293 = tpu.memref_slice %arg5[%dma_wait3A_292] : memref<320000xi32, #tpu.memory_space<hbm>> -> memref<80xi32, #tpu.memory_space<hbm>>
        %dma_wait3A_294 = arith.constant 0 : i32
        %dma_wait3A_295 = tpu.memref_slice %arg5[%dma_wait3A_294] : memref<320000xi32, #tpu.memory_space<hbm>> -> memref<80xi32, #tpu.memory_space<hbm>>
        tpu.wait_dma2 semaphore(%arg26 : memref<!tpu.dma_semaphore, #tpu.memory_space<semaphore_mem>>) src(%dma_wait3A_295 : memref<80xi32, #tpu.memory_space<hbm>>) dst(%arg13 : memref<80xi32, #tpu.memory_space<vmem>>)
        %get3A_296 = arith.constant 0 : index
        %get3A_297 = tpu.vector_load %arg9[%get3A_296] {strides = array<i32>} : memref<80xi32, #tpu.memory_space<vmem>>, vector<16xi32>,
        %get3A_298 = vector.shape_cast %get3A_297 : vector<16xi32> to vector<16xi32>
        %mul3A_299 = arith.constant 10000 : i32
        %mul3A_300 = vector.broadcast %mul3A_299 : i32 to vector<16xi32>
        %mul3A_301 = arith.muli %get3A_298, %mul3A_300 : vector<16xi32>
        %get3A_302 = arith.constant 0 : index
        %get3A_303 = tpu.vector_load %arg7[%get3A_302] {strides = array<i32>} : memref<80xi32, #tpu.memory_space<vmem>>, vector<16xi32>,
        %get3A_304 = vector.shape_cast %get3A_303 : vector<16xi32> to vector<16xi32>
        %add3A_305 = arith.addi %mul3A_301, %get3A_304 : vector<16xi32>
        %swap3A_306 = arith.constant 0 : index
        %swap3A_307 = tpu.vector_load %arg7[%swap3A_306] {strides = array<i32>} : memref<80xi32, #tpu.memory_space<vmem>>, vector<16xi32>,
        %swap3A_308 = vector.shape_cast %swap3A_307 : vector<16xi32> to vector<16xi32>
        %swap3A_309 = vector.shape_cast %add3A_305 : vector<16xi32> to vector<16xi32>
        tpu.vector_store %arg7[%swap3A_306], %swap3A_309 {strides = array<i32>} : memref<80xi32, #tpu.memory_space<vmem>>, vector<16xi32>,
        %get3A_310 = arith.constant 16 : index
        %get3A_311 = tpu.vector_load %arg9[%get3A_310] {strides = array<i32>} : memref<80xi32, #tpu.memory_space<vmem>>, vector<16xi32>,
        %get3A_312 = vector.shape_cast %get3A_311 : vector<16xi32> to vector<16xi32>
        %mul3A_313 = arith.constant 10000 : i32
        %mul3A_314 = vector.broadcast %mul3A_313 : i32 to vector<16xi32>
        %mul3A_315 = arith.muli %get3A_312, %mul3A_314 : vector<16xi32>
        %get3A_316 = arith.constant 16 : index
        %get3A_317 = tpu.vector_load %arg7[%get3A_316] {strides = array<i32>} : memref<80xi32, #tpu.memory_space<vmem>>, vector<16xi32>,
        %get3A_318 = vector.shape_cast %get3A_317 : vector<16xi32> to vector<16xi32>
        %add3A_319 = arith.addi %mul3A_315, %get3A_318 : vector<16xi32>
        %swap3A_320 = arith.constant 16 : index
        %swap3A_321 = tpu.vector_load %arg7[%swap3A_320] {strides = array<i32>} : memref<80xi32, #tpu.memory_space<vmem>>, vector<16xi32>,
        %swap3A_322 = vector.shape_cast %swap3A_321 : vector<16xi32> to vector<16xi32>
        %swap3A_323 = vector.shape_cast %add3A_319 : vector<16xi32> to vector<16xi32>
        tpu.vector_store %arg7[%swap3A_320], %swap3A_323 {strides = array<i32>} : memref<80xi32, #tpu.memory_space<vmem>>, vector<16xi32>,
        %get3A_324 = arith.constant 32 : index
        %get3A_325 = tpu.vector_load %arg9[%get3A_324] {strides = array<i32>} : memref<80xi32, #tpu.memory_space<vmem>>, vector<16xi32>,
        %get3A_326 = vector.shape_cast %get3A_325 : vector<16xi32> to vector<16xi32>
        %mul3A_327 = arith.constant 10000 : i32
        %mul3A_328 = vector.broadcast %mul3A_327 : i32 to vector<16xi32>
        %mul3A_329 = arith.muli %get3A_326, %mul3A_328 : vector<16xi32>
        %get3A_330 = arith.constant 32 : index
        %get3A_331 = tpu.vector_load %arg7[%get3A_330] {strides = array<i32>} : memref<80xi32, #tpu.memory_space<vmem>>, vector<16xi32>,
        %get3A_332 = vector.shape_cast %get3A_331 : vector<16xi32> to vector<16xi32>
        %add3A_333 = arith.addi %mul3A_329, %get3A_332 : vector<16xi32>
        %swap3A_334 = arith.constant 32 : index
        %swap3A_335 = tpu.vector_load %arg7[%swap3A_334] {strides = array<i32>} : memref<80xi32, #tpu.memory_space<vmem>>, vector<16xi32>,
        %swap3A_336 = vector.shape_cast %swap3A_335 : vector<16xi32> to vector<16xi32>
        %swap3A_337 = vector.shape_cast %add3A_333 : vector<16xi32> to vector<16xi32>
        tpu.vector_store %arg7[%swap3A_334], %swap3A_337 {strides = array<i32>} : memref<80xi32, #tpu.memory_space<vmem>>, vector<16xi32>,
        %get3A_338 = arith.constant 48 : index
        %get3A_339 = tpu.vector_load %arg9[%get3A_338] {strides = array<i32>} : memref<80xi32, #tpu.memory_space<vmem>>, vector<16xi32>,
        %get3A_340 = vector.shape_cast %get3A_339 : vector<16xi32> to vector<16xi32>
        %mul3A_341 = arith.constant 10000 : i32
        %mul3A_342 = vector.broadcast %mul3A_341 : i32 to vector<16xi32>
        %mul3A_343 = arith.muli %get3A_340, %mul3A_342 : vector<16xi32>
        %get3A_344 = arith.constant 48 : index
        %get3A_345 = tpu.vector_load %arg7[%get3A_344] {strides = array<i32>} : memref<80xi32, #tpu.memory_space<vmem>>, vector<16xi32>,
        %get3A_346 = vector.shape_cast %get3A_345 : vector<16xi32> to vector<16xi32>
        %add3A_347 = arith.addi %mul3A_343, %get3A_346 : vector<16xi32>
        %swap3A_348 = arith.constant 48 : index
        %swap3A_349 = tpu.vector_load %arg7[%swap3A_348] {strides = array<i32>} : memref<80xi32, #tpu.memory_space<vmem>>, vector<16xi32>,
        %swap3A_350 = vector.shape_cast %swap3A_349 : vector<16xi32> to vector<16xi32>
        %swap3A_351 = vector.shape_cast %add3A_347 : vector<16xi32> to vector<16xi32>
        tpu.vector_store %arg7[%swap3A_348], %swap3A_351 {strides = array<i32>} : memref<80xi32, #tpu.memory_space<vmem>>, vector<16xi32>,
        %get3A_352 = arith.constant 64 : index
        %get3A_353 = tpu.vector_load %arg9[%get3A_352] {strides = array<i32>} : memref<80xi32, #tpu.memory_space<vmem>>, vector<16xi32>,
        %get3A_354 = vector.shape_cast %get3A_353 : vector<16xi32> to vector<16xi32>
        %mul3A_355 = arith.constant 10000 : i32
        %mul3A_356 = vector.broadcast %mul3A_355 : i32 to vector<16xi32>
        %mul3A_357 = arith.muli %get3A_354, %mul3A_356 : vector<16xi32>
        %get3A_358 = arith.constant 64 : index
        %get3A_359 = tpu.vector_load %arg7[%get3A_358] {strides = array<i32>} : memref<80xi32, #tpu.memory_space<vmem>>, vector<16xi32>,
        %get3A_360 = vector.shape_cast %get3A_359 : vector<16xi32> to vector<16xi32>
        %add3A_361 = arith.addi %mul3A_357, %get3A_360 : vector<16xi32>
        %swap3A_362 = arith.constant 64 : index
        %swap3A_363 = tpu.vector_load %arg7[%swap3A_362] {strides = array<i32>} : memref<80xi32, #tpu.memory_space<vmem>>, vector<16xi32>,
        %swap3A_364 = vector.shape_cast %swap3A_363 : vector<16xi32> to vector<16xi32>
        %swap3A_365 = vector.shape_cast %add3A_361 : vector<16xi32> to vector<16xi32>
        tpu.vector_store %arg7[%swap3A_362], %swap3A_365 {strides = array<i32>} : memref<80xi32, #tpu.memory_space<vmem>>, vector<16xi32>,
        %ge3A = arith.constant 2 : i32
        %ge3A_366 = arith.cmpi sge, %add3A_171, %ge3A : i32
        %convert_element_type3A_367 = arith.extui %ge3A_366 : i1 to i32
        %cond3A_368 = arith.constant 0 : i32
        %cond3A_369 = arith.cmpi ne, %convert_element_type3A_367, %cond3A_368 : i32
        scf.if %cond3A_369 {
          %dma_wait3A_373 = arith.constant 0 : i32
          %dma_wait3A_374 = arith.constant 0 : i32
          %dma_wait3A_375 = tpu.memref_slice %arg36[%dma_wait3A_373, %dma_wait3A_374] : memref<10000x128xf32, #tpu.memory_space<vmem_shared>> -> memref<80x128xf32, #tpu.memory_space<vmem_shared>>
          %dma_wait3A_376 = arith.constant 0 : i32
          %dma_wait3A_377 = arith.constant 0 : i32
          %dma_wait3A_378 = tpu.memref_slice %arg36[%dma_wait3A_376, %dma_wait3A_377] : memref<10000x128xf32, #tpu.memory_space<vmem_shared>> -> memref<80x128xf32, #tpu.memory_space<vmem_shared>>
          tpu.wait_dma2 semaphore(%arg35 : memref<!tpu.dma_semaphore, #tpu.memory_space<semaphore_mem>>) src(%arg19 : memref<80x128xf32, #tpu.memory_space<vmem>>) dst(%dma_wait3A_378 : memref<80x128xf32, #tpu.memory_space<vmem_shared>>)
        } else {
        }
        %dma_start3A_370 = arith.constant 0 : i32
        %dma_start3A_371 = arith.constant 0 : i32
        %dma_start3A_372 = tpu.memref_slice %arg2[%dma_start3A_370, %dma_start3A_371] : memref<70000x128xf32, #tpu.memory_space<hbm>> -> memref<70000x128xf32, #tpu.memory_space<hbm>>
        tpu.enqueue_indirect_dma source(%dma_start3A_372 : memref<70000x128xf32, #tpu.memory_space<hbm>>) target(%arg19 : memref<80x128xf32, #tpu.memory_space<vmem>>) offsets(%arg7 : memref<80xi32, #tpu.memory_space<vmem>>) semaphore(%arg32 : memref<!tpu.dma_semaphore, #tpu.memory_space<semaphore_mem>>)
      } else {
      }
      %lt3A_179 = arith.constant 125 : i32
      %lt3A_180 = arith.cmpi slt, %add3A_171, %lt3A_179 : i32
      %convert_element_type3A_181 = arith.extui %lt3A_180 : i1 to i32
      %cond3A_182 = arith.constant 0 : i32
      %cond3A_183 = arith.cmpi ne, %convert_element_type3A_181, %cond3A_182 : i32
      scf.if %cond3A_183 {
        %dma_wait3A_284 = arith.constant 0 : i32
        %dma_wait3A_285 = arith.constant 0 : i32
        %dma_wait3A_286 = tpu.memref_slice %arg2[%dma_wait3A_284, %dma_wait3A_285] : memref<70000x128xf32, #tpu.memory_space<hbm>> -> memref<80x128xf32, #tpu.memory_space<hbm>>
        %dma_wait3A_287 = arith.constant 0 : i32
        %dma_wait3A_288 = arith.constant 0 : i32
        %dma_wait3A_289 = tpu.memref_slice %arg2[%dma_wait3A_287, %dma_wait3A_288] : memref<70000x128xf32, #tpu.memory_space<hbm>> -> memref<80x128xf32, #tpu.memory_space<hbm>>
        tpu.wait_dma2 semaphore(%arg31 : memref<!tpu.dma_semaphore, #tpu.memory_space<semaphore_mem>>) src(%dma_wait3A_289 : memref<80x128xf32, #tpu.memory_space<hbm>>) dst(%arg18 : memref<80x128xf32, #tpu.memory_space<vmem>>)
        %dma_start3A_290 = arith.constant 0 : i32
        %dma_start3A_291 = arith.constant 0 : i32
        %dma_start3A_292 = tpu.memref_slice %arg36[%dma_start3A_290, %dma_start3A_291] : memref<10000x128xf32, #tpu.memory_space<vmem_shared>> -> memref<10000x128xf32, #tpu.memory_space<vmem_shared>>
        tpu.enqueue_indirect_dma source(%arg18 : memref<80x128xf32, #tpu.memory_space<vmem>>) target(%dma_start3A_292 : memref<10000x128xf32, #tpu.memory_space<vmem_shared>>) offsets(%arg12 : memref<80xi32, #tpu.memory_space<vmem>>) semaphore(%arg34 : memref<!tpu.dma_semaphore, #tpu.memory_space<semaphore_mem>>) {add = true}
      } else {
      }
      %add3A_184 = arith.constant 2 : i32
      %add3A_185 = arith.addi %add3A_171, %add3A_184 : i32
      %lt3A_186 = arith.constant 125 : i32
      %lt3A_187 = arith.cmpi slt, %add3A_185, %lt3A_186 : i32
      %convert_element_type3A_188 = arith.extui %lt3A_187 : i1 to i32
      %cond3A_189 = arith.constant 0 : i32
      %cond3A_190 = arith.cmpi ne, %convert_element_type3A_188, %cond3A_189 : i32
      scf.if %cond3A_190 {
        %add3A_284 = arith.constant 2 : i32
        %add3A_285 = arith.addi %add3A_171, %add3A_284 : i32
        %mul3A_286 = arith.constant 80 : i32
        %mul3A_287 = arith.muli %add3A_285, %mul3A_286 : i32
        %add3A_288 = arith.addi %mul3A_2, %mul3A_287 : i32
        %dma_start3A_289 = tpu.memref_slice %arg3[%add3A_288] : memref<320000xi32, #tpu.memory_space<hbm>> -> memref<80xi32, #tpu.memory_space<hbm>>
        %dma_start3A_290 = tpu.memref_slice %arg3[%add3A_288] : memref<320000xi32, #tpu.memory_space<hbm>> -> memref<80xi32, #tpu.memory_space<hbm>>
        tpu.enqueue_dma source(%dma_start3A_290 : memref<80xi32, #tpu.memory_space<hbm>>) target(%arg8 : memref<80xi32, #tpu.memory_space<vmem>>) target_semaphore(%arg21 : memref<!tpu.dma_semaphore, #tpu.memory_space<semaphore_mem>>)
        %dma_start3A_291 = tpu.memref_slice %arg4[%add3A_288] : memref<320000xi32, #tpu.memory_space<hbm>> -> memref<80xi32, #tpu.memory_space<hbm>>
        %dma_start3A_292 = tpu.memref_slice %arg4[%add3A_288] : memref<320000xi32, #tpu.memory_space<hbm>> -> memref<80xi32, #tpu.memory_space<hbm>>
        tpu.enqueue_dma source(%dma_start3A_292 : memref<80xi32, #tpu.memory_space<hbm>>) target(%arg10 : memref<80xi32, #tpu.memory_space<vmem>>) target_semaphore(%arg23 : memref<!tpu.dma_semaphore, #tpu.memory_space<semaphore_mem>>)
        %dma_start3A_293 = tpu.memref_slice %arg5[%add3A_288] : memref<320000xi32, #tpu.memory_space<hbm>> -> memref<80xi32, #tpu.memory_space<hbm>>
        %dma_start3A_294 = tpu.memref_slice %arg5[%add3A_288] : memref<320000xi32, #tpu.memory_space<hbm>> -> memref<80xi32, #tpu.memory_space<hbm>>
        tpu.enqueue_dma source(%dma_start3A_294 : memref<80xi32, #tpu.memory_space<hbm>>) target(%arg14 : memref<80xi32, #tpu.memory_space<vmem>>) target_semaphore(%arg27 : memref<!tpu.dma_semaphore, #tpu.memory_space<semaphore_mem>>)
      } else {
      }
      %mul3A_191 = arith.constant 6 : i32
      %mul3A_192 = arith.muli %mul3A_191, %scan3A_146 : i32
      %add3A_193 = arith.constant 2 : i32
      %add3A_194 = arith.addi %mul3A_192, %add3A_193 : i32
      %add3A_195 = arith.constant 1 : i32
      %add3A_196 = arith.addi %add3A_194, %add3A_195 : i32
      %lt3A_197 = arith.constant 125 : i32
      %lt3A_198 = arith.cmpi slt, %add3A_196, %lt3A_197 : i32
      %convert_element_type3A_199 = arith.extui %lt3A_198 : i1 to i32
      %cond3A_200 = arith.constant 0 : i32
      %cond3A_201 = arith.cmpi ne, %convert_element_type3A_199, %cond3A_200 : i32
      scf.if %cond3A_201 {
        %dma_wait3A_284 = arith.constant 0 : i32
        %dma_wait3A_285 = tpu.memref_slice %arg3[%dma_wait3A_284] : memref<320000xi32, #tpu.memory_space<hbm>> -> memref<80xi32, #tpu.memory_space<hbm>>
        %dma_wait3A_286 = arith.constant 0 : i32
        %dma_wait3A_287 = tpu.memref_slice %arg3[%dma_wait3A_286] : memref<320000xi32, #tpu.memory_space<hbm>> -> memref<80xi32, #tpu.memory_space<hbm>>
        tpu.wait_dma2 semaphore(%arg21 : memref<!tpu.dma_semaphore, #tpu.memory_space<semaphore_mem>>) src(%dma_wait3A_287 : memref<80xi32, #tpu.memory_space<hbm>>) dst(%arg8 : memref<80xi32, #tpu.memory_space<vmem>>)
        %dma_wait3A_288 = arith.constant 0 : i32
        %dma_wait3A_289 = tpu.memref_slice %arg4[%dma_wait3A_288] : memref<320000xi32, #tpu.memory_space<hbm>> -> memref<80xi32, #tpu.memory_space<hbm>>
        %dma_wait3A_290 = arith.constant 0 : i32
        %dma_wait3A_291 = tpu.memref_slice %arg4[%dma_wait3A_290] : memref<320000xi32, #tpu.memory_space<hbm>> -> memref<80xi32, #tpu.memory_space<hbm>>
        tpu.wait_dma2 semaphore(%arg23 : memref<!tpu.dma_semaphore, #tpu.memory_space<semaphore_mem>>) src(%dma_wait3A_291 : memref<80xi32, #tpu.memory_space<hbm>>) dst(%arg10 : memref<80xi32, #tpu.memory_space<vmem>>)
        %dma_wait3A_292 = arith.constant 0 : i32
        %dma_wait3A_293 = tpu.memref_slice %arg5[%dma_wait3A_292] : memref<320000xi32, #tpu.memory_space<hbm>> -> memref<80xi32, #tpu.memory_space<hbm>>
        %dma_wait3A_294 = arith.constant 0 : i32
        %dma_wait3A_295 = tpu.memref_slice %arg5[%dma_wait3A_294] : memref<320000xi32, #tpu.memory_space<hbm>> -> memref<80xi32, #tpu.memory_space<hbm>>
        tpu.wait_dma2 semaphore(%arg27 : memref<!tpu.dma_semaphore, #tpu.memory_space<semaphore_mem>>) src(%dma_wait3A_295 : memref<80xi32, #tpu.memory_space<hbm>>) dst(%arg14 : memref<80xi32, #tpu.memory_space<vmem>>)
        %get3A_296 = arith.constant 0 : index
        %get3A_297 = tpu.vector_load %arg10[%get3A_296] {strides = array<i32>} : memref<80xi32, #tpu.memory_space<vmem>>, vector<16xi32>,
        %get3A_298 = vector.shape_cast %get3A_297 : vector<16xi32> to vector<16xi32>
        %mul3A_299 = arith.constant 10000 : i32
        %mul3A_300 = vector.broadcast %mul3A_299 : i32 to vector<16xi32>
        %mul3A_301 = arith.muli %get3A_298, %mul3A_300 : vector<16xi32>
        %get3A_302 = arith.constant 0 : index
        %get3A_303 = tpu.vector_load %arg8[%get3A_302] {strides = array<i32>} : memref<80xi32, #tpu.memory_space<vmem>>, vector<16xi32>,
        %get3A_304 = vector.shape_cast %get3A_303 : vector<16xi32> to vector<16xi32>
        %add3A_305 = arith.addi %mul3A_301, %get3A_304 : vector<16xi32>
        %swap3A_306 = arith.constant 0 : index
        %swap3A_307 = tpu.vector_load %arg8[%swap3A_306] {strides = array<i32>} : memref<80xi32, #tpu.memory_space<vmem>>, vector<16xi32>,
        %swap3A_308 = vector.shape_cast %swap3A_307 : vector<16xi32> to vector<16xi32>
        %swap3A_309 = vector.shape_cast %add3A_305 : vector<16xi32> to vector<16xi32>
        tpu.vector_store %arg8[%swap3A_306], %swap3A_309 {strides = array<i32>} : memref<80xi32, #tpu.memory_space<vmem>>, vector<16xi32>,
        %get3A_310 = arith.constant 16 : index
        %get3A_311 = tpu.vector_load %arg10[%get3A_310] {strides = array<i32>} : memref<80xi32, #tpu.memory_space<vmem>>, vector<16xi32>,
        %get3A_312 = vector.shape_cast %get3A_311 : vector<16xi32> to vector<16xi32>
        %mul3A_313 = arith.constant 10000 : i32
        %mul3A_314 = vector.broadcast %mul3A_313 : i32 to vector<16xi32>
        %mul3A_315 = arith.muli %get3A_312, %mul3A_314 : vector<16xi32>
        %get3A_316 = arith.constant 16 : index
        %get3A_317 = tpu.vector_load %arg8[%get3A_316] {strides = array<i32>} : memref<80xi32, #tpu.memory_space<vmem>>, vector<16xi32>,
        %get3A_318 = vector.shape_cast %get3A_317 : vector<16xi32> to vector<16xi32>
        %add3A_319 = arith.addi %mul3A_315, %get3A_318 : vector<16xi32>
        %swap3A_320 = arith.constant 16 : index
        %swap3A_321 = tpu.vector_load %arg8[%swap3A_320] {strides = array<i32>} : memref<80xi32, #tpu.memory_space<vmem>>, vector<16xi32>,
        %swap3A_322 = vector.shape_cast %swap3A_321 : vector<16xi32> to vector<16xi32>
        %swap3A_323 = vector.shape_cast %add3A_319 : vector<16xi32> to vector<16xi32>
        tpu.vector_store %arg8[%swap3A_320], %swap3A_323 {strides = array<i32>} : memref<80xi32, #tpu.memory_space<vmem>>, vector<16xi32>,
        %get3A_324 = arith.constant 32 : index
        %get3A_325 = tpu.vector_load %arg10[%get3A_324] {strides = array<i32>} : memref<80xi32, #tpu.memory_space<vmem>>, vector<16xi32>,
        %get3A_326 = vector.shape_cast %get3A_325 : vector<16xi32> to vector<16xi32>
        %mul3A_327 = arith.constant 10000 : i32
        %mul3A_328 = vector.broadcast %mul3A_327 : i32 to vector<16xi32>
        %mul3A_329 = arith.muli %get3A_326, %mul3A_328 : vector<16xi32>
        %get3A_330 = arith.constant 32 : index
        %get3A_331 = tpu.vector_load %arg8[%get3A_330] {strides = array<i32>} : memref<80xi32, #tpu.memory_space<vmem>>, vector<16xi32>,
        %get3A_332 = vector.shape_cast %get3A_331 : vector<16xi32> to vector<16xi32>
        %add3A_333 = arith.addi %mul3A_329, %get3A_332 : vector<16xi32>
        %swap3A_334 = arith.constant 32 : index
        %swap3A_335 = tpu.vector_load %arg8[%swap3A_334] {strides = array<i32>} : memref<80xi32, #tpu.memory_space<vmem>>, vector<16xi32>,
        %swap3A_336 = vector.shape_cast %swap3A_335 : vector<16xi32> to vector<16xi32>
        %swap3A_337 = vector.shape_cast %add3A_333 : vector<16xi32> to vector<16xi32>
        tpu.vector_store %arg8[%swap3A_334], %swap3A_337 {strides = array<i32>} : memref<80xi32, #tpu.memory_space<vmem>>, vector<16xi32>,
        %get3A_338 = arith.constant 48 : index
        %get3A_339 = tpu.vector_load %arg10[%get3A_338] {strides = array<i32>} : memref<80xi32, #tpu.memory_space<vmem>>, vector<16xi32>,
        %get3A_340 = vector.shape_cast %get3A_339 : vector<16xi32> to vector<16xi32>
        %mul3A_341 = arith.constant 10000 : i32
        %mul3A_342 = vector.broadcast %mul3A_341 : i32 to vector<16xi32>
        %mul3A_343 = arith.muli %get3A_340, %mul3A_342 : vector<16xi32>
        %get3A_344 = arith.constant 48 : index
        %get3A_345 = tpu.vector_load %arg8[%get3A_344] {strides = array<i32>} : memref<80xi32, #tpu.memory_space<vmem>>, vector<16xi32>,
        %get3A_346 = vector.shape_cast %get3A_345 : vector<16xi32> to vector<16xi32>
        %add3A_347 = arith.addi %mul3A_343, %get3A_346 : vector<16xi32>
        %swap3A_348 = arith.constant 48 : index
        %swap3A_349 = tpu.vector_load %arg8[%swap3A_348] {strides = array<i32>} : memref<80xi32, #tpu.memory_space<vmem>>, vector<16xi32>,
        %swap3A_350 = vector.shape_cast %swap3A_349 : vector<16xi32> to vector<16xi32>
        %swap3A_351 = vector.shape_cast %add3A_347 : vector<16xi32> to vector<16xi32>
        tpu.vector_store %arg8[%swap3A_348], %swap3A_351 {strides = array<i32>} : memref<80xi32, #tpu.memory_space<vmem>>, vector<16xi32>,
        %get3A_352 = arith.constant 64 : index
        %get3A_353 = tpu.vector_load %arg10[%get3A_352] {strides = array<i32>} : memref<80xi32, #tpu.memory_space<vmem>>, vector<16xi32>,
        %get3A_354 = vector.shape_cast %get3A_353 : vector<16xi32> to vector<16xi32>
        %mul3A_355 = arith.constant 10000 : i32
        %mul3A_356 = vector.broadcast %mul3A_355 : i32 to vector<16xi32>
        %mul3A_357 = arith.muli %get3A_354, %mul3A_356 : vector<16xi32>
        %get3A_358 = arith.constant 64 : index
        %get3A_359 = tpu.vector_load %arg8[%get3A_358] {strides = array<i32>} : memref<80xi32, #tpu.memory_space<vmem>>, vector<16xi32>,
        %get3A_360 = vector.shape_cast %get3A_359 : vector<16xi32> to vector<16xi32>
        %add3A_361 = arith.addi %mul3A_357, %get3A_360 : vector<16xi32>
        %swap3A_362 = arith.constant 64 : index
        %swap3A_363 = tpu.vector_load %arg8[%swap3A_362] {strides = array<i32>} : memref<80xi32, #tpu.memory_space<vmem>>, vector<16xi32>,
        %swap3A_364 = vector.shape_cast %swap3A_363 : vector<16xi32> to vector<16xi32>
        %swap3A_365 = vector.shape_cast %add3A_361 : vector<16xi32> to vector<16xi32>
        tpu.vector_store %arg8[%swap3A_362], %swap3A_365 {strides = array<i32>} : memref<80xi32, #tpu.memory_space<vmem>>, vector<16xi32>,
        %ge3A = arith.constant 2 : i32
        %ge3A_366 = arith.cmpi sge, %add3A_194, %ge3A : i32
        %convert_element_type3A_367 = arith.extui %ge3A_366 : i1 to i32
        %cond3A_368 = arith.constant 0 : i32
        %cond3A_369 = arith.cmpi ne, %convert_element_type3A_367, %cond3A_368 : i32
        scf.if %cond3A_369 {
          %dma_wait3A_373 = arith.constant 0 : i32
          %dma_wait3A_374 = arith.constant 0 : i32
          %dma_wait3A_375 = tpu.memref_slice %arg36[%dma_wait3A_373, %dma_wait3A_374] : memref<10000x128xf32, #tpu.memory_space<vmem_shared>> -> memref<80x128xf32, #tpu.memory_space<vmem_shared>>
          %dma_wait3A_376 = arith.constant 0 : i32
          %dma_wait3A_377 = arith.constant 0 : i32
          %dma_wait3A_378 = tpu.memref_slice %arg36[%dma_wait3A_376, %dma_wait3A_377] : memref<10000x128xf32, #tpu.memory_space<vmem_shared>> -> memref<80x128xf32, #tpu.memory_space<vmem_shared>>
          tpu.wait_dma2 semaphore(%arg33 : memref<!tpu.dma_semaphore, #tpu.memory_space<semaphore_mem>>) src(%arg17 : memref<80x128xf32, #tpu.memory_space<vmem>>) dst(%dma_wait3A_378 : memref<80x128xf32, #tpu.memory_space<vmem_shared>>)
        } else {
        }
        %dma_start3A_370 = arith.constant 0 : i32
        %dma_start3A_371 = arith.constant 0 : i32
        %dma_start3A_372 = tpu.memref_slice %arg2[%dma_start3A_370, %dma_start3A_371] : memref<70000x128xf32, #tpu.memory_space<hbm>> -> memref<70000x128xf32, #tpu.memory_space<hbm>>
        tpu.enqueue_indirect_dma source(%dma_start3A_372 : memref<70000x128xf32, #tpu.memory_space<hbm>>) target(%arg17 : memref<80x128xf32, #tpu.memory_space<vmem>>) offsets(%arg8 : memref<80xi32, #tpu.memory_space<vmem>>) semaphore(%arg30 : memref<!tpu.dma_semaphore, #tpu.memory_space<semaphore_mem>>)
      } else {
      }
      %lt3A_202 = arith.constant 125 : i32
      %lt3A_203 = arith.cmpi slt, %add3A_194, %lt3A_202 : i32
      %convert_element_type3A_204 = arith.extui %lt3A_203 : i1 to i32
      %cond3A_205 = arith.constant 0 : i32
      %cond3A_206 = arith.cmpi ne, %convert_element_type3A_204, %cond3A_205 : i32
      scf.if %cond3A_206 {
        %dma_wait3A_284 = arith.constant 0 : i32
        %dma_wait3A_285 = arith.constant 0 : i32
        %dma_wait3A_286 = tpu.memref_slice %arg2[%dma_wait3A_284, %dma_wait3A_285] : memref<70000x128xf32, #tpu.memory_space<hbm>> -> memref<80x128xf32, #tpu.memory_space<hbm>>
        %dma_wait3A_287 = arith.constant 0 : i32
        %dma_wait3A_288 = arith.constant 0 : i32
        %dma_wait3A_289 = tpu.memref_slice %arg2[%dma_wait3A_287, %dma_wait3A_288] : memref<70000x128xf32, #tpu.memory_space<hbm>> -> memref<80x128xf32, #tpu.memory_space<hbm>>
        tpu.wait_dma2 semaphore(%arg32 : memref<!tpu.dma_semaphore, #tpu.memory_space<semaphore_mem>>) src(%dma_wait3A_289 : memref<80x128xf32, #tpu.memory_space<hbm>>) dst(%arg19 : memref<80x128xf32, #tpu.memory_space<vmem>>)
        %dma_start3A_290 = arith.constant 0 : i32
        %dma_start3A_291 = arith.constant 0 : i32
        %dma_start3A_292 = tpu.memref_slice %arg36[%dma_start3A_290, %dma_start3A_291] : memref<10000x128xf32, #tpu.memory_space<vmem_shared>> -> memref<10000x128xf32, #tpu.memory_space<vmem_shared>>
        tpu.enqueue_indirect_dma source(%arg19 : memref<80x128xf32, #tpu.memory_space<vmem>>) target(%dma_start3A_292 : memref<10000x128xf32, #tpu.memory_space<vmem_shared>>) offsets(%arg13 : memref<80xi32, #tpu.memory_space<vmem>>) semaphore(%arg35 : memref<!tpu.dma_semaphore, #tpu.memory_space<semaphore_mem>>) {add = true}
      } else {
      }
      %add3A_207 = arith.constant 2 : i32
      %add3A_208 = arith.addi %add3A_194, %add3A_207 : i32
      %lt3A_209 = arith.constant 125 : i32
      %lt3A_210 = arith.cmpi slt, %add3A_208, %lt3A_209 : i32
      %convert_element_type3A_211 = arith.extui %lt3A_210 : i1 to i32
      %cond3A_212 = arith.constant 0 : i32
      %cond3A_213 = arith.cmpi ne, %convert_element_type3A_211, %cond3A_212 : i32
      scf.if %cond3A_213 {
        %add3A_284 = arith.constant 2 : i32
        %add3A_285 = arith.addi %add3A_194, %add3A_284 : i32
        %mul3A_286 = arith.constant 80 : i32
        %mul3A_287 = arith.muli %add3A_285, %mul3A_286 : i32
        %add3A_288 = arith.addi %mul3A_2, %mul3A_287 : i32
        %dma_start3A_289 = tpu.memref_slice %arg3[%add3A_288] : memref<320000xi32, #tpu.memory_space<hbm>> -> memref<80xi32, #tpu.memory_space<hbm>>
        %dma_start3A_290 = tpu.memref_slice %arg3[%add3A_288] : memref<320000xi32, #tpu.memory_space<hbm>> -> memref<80xi32, #tpu.memory_space<hbm>>
        tpu.enqueue_dma source(%dma_start3A_290 : memref<80xi32, #tpu.memory_space<hbm>>) target(%arg7 : memref<80xi32, #tpu.memory_space<vmem>>) target_semaphore(%arg20 : memref<!tpu.dma_semaphore, #tpu.memory_space<semaphore_mem>>)
        %dma_start3A_291 = tpu.memref_slice %arg4[%add3A_288] : memref<320000xi32, #tpu.memory_space<hbm>> -> memref<80xi32, #tpu.memory_space<hbm>>
        %dma_start3A_292 = tpu.memref_slice %arg4[%add3A_288] : memref<320000xi32, #tpu.memory_space<hbm>> -> memref<80xi32, #tpu.memory_space<hbm>>
        tpu.enqueue_dma source(%dma_start3A_292 : memref<80xi32, #tpu.memory_space<hbm>>) target(%arg9 : memref<80xi32, #tpu.memory_space<vmem>>) target_semaphore(%arg22 : memref<!tpu.dma_semaphore, #tpu.memory_space<semaphore_mem>>)
        %dma_start3A_293 = tpu.memref_slice %arg5[%add3A_288] : memref<320000xi32, #tpu.memory_space<hbm>> -> memref<80xi32, #tpu.memory_space<hbm>>
        %dma_start3A_294 = tpu.memref_slice %arg5[%add3A_288] : memref<320000xi32, #tpu.memory_space<hbm>> -> memref<80xi32, #tpu.memory_space<hbm>>
        tpu.enqueue_dma source(%dma_start3A_294 : memref<80xi32, #tpu.memory_space<hbm>>) target(%arg15 : memref<80xi32, #tpu.memory_space<vmem>>) target_semaphore(%arg28 : memref<!tpu.dma_semaphore, #tpu.memory_space<semaphore_mem>>)
      } else {
      }
      %mul3A_214 = arith.constant 6 : i32
      %mul3A_215 = arith.muli %mul3A_214, %scan3A_146 : i32
      %add3A_216 = arith.constant 3 : i32
      %add3A_217 = arith.addi %mul3A_215, %add3A_216 : i32
      %add3A_218 = arith.constant 1 : i32
      %add3A_219 = arith.addi %add3A_217, %add3A_218 : i32
      %lt3A_220 = arith.constant 125 : i32
      %lt3A_221 = arith.cmpi slt, %add3A_219, %lt3A_220 : i32
      %convert_element_type3A_222 = arith.extui %lt3A_221 : i1 to i32
      %cond3A_223 = arith.constant 0 : i32
      %cond3A_224 = arith.cmpi ne, %convert_element_type3A_222, %cond3A_223 : i32
      scf.if %cond3A_224 {
        %dma_wait3A_284 = arith.constant 0 : i32
        %dma_wait3A_285 = tpu.memref_slice %arg3[%dma_wait3A_284] : memref<320000xi32, #tpu.memory_space<hbm>> -> memref<80xi32, #tpu.memory_space<hbm>>
        %dma_wait3A_286 = arith.constant 0 : i32
        %dma_wait3A_287 = tpu.memref_slice %arg3[%dma_wait3A_286] : memref<320000xi32, #tpu.memory_space<hbm>> -> memref<80xi32, #tpu.memory_space<hbm>>
        tpu.wait_dma2 semaphore(%arg20 : memref<!tpu.dma_semaphore, #tpu.memory_space<semaphore_mem>>) src(%dma_wait3A_287 : memref<80xi32, #tpu.memory_space<hbm>>) dst(%arg7 : memref<80xi32, #tpu.memory_space<vmem>>)
        %dma_wait3A_288 = arith.constant 0 : i32
        %dma_wait3A_289 = tpu.memref_slice %arg4[%dma_wait3A_288] : memref<320000xi32, #tpu.memory_space<hbm>> -> memref<80xi32, #tpu.memory_space<hbm>>
        %dma_wait3A_290 = arith.constant 0 : i32
        %dma_wait3A_291 = tpu.memref_slice %arg4[%dma_wait3A_290] : memref<320000xi32, #tpu.memory_space<hbm>> -> memref<80xi32, #tpu.memory_space<hbm>>
        tpu.wait_dma2 semaphore(%arg22 : memref<!tpu.dma_semaphore, #tpu.memory_space<semaphore_mem>>) src(%dma_wait3A_291 : memref<80xi32, #tpu.memory_space<hbm>>) dst(%arg9 : memref<80xi32, #tpu.memory_space<vmem>>)
        %dma_wait3A_292 = arith.constant 0 : i32
        %dma_wait3A_293 = tpu.memref_slice %arg5[%dma_wait3A_292] : memref<320000xi32, #tpu.memory_space<hbm>> -> memref<80xi32, #tpu.memory_space<hbm>>
        %dma_wait3A_294 = arith.constant 0 : i32
        %dma_wait3A_295 = tpu.memref_slice %arg5[%dma_wait3A_294] : memref<320000xi32, #tpu.memory_space<hbm>> -> memref<80xi32, #tpu.memory_space<hbm>>
        tpu.wait_dma2 semaphore(%arg28 : memref<!tpu.dma_semaphore, #tpu.memory_space<semaphore_mem>>) src(%dma_wait3A_295 : memref<80xi32, #tpu.memory_space<hbm>>) dst(%arg15 : memref<80xi32, #tpu.memory_space<vmem>>)
        %get3A_296 = arith.constant 0 : index
        %get3A_297 = tpu.vector_load %arg9[%get3A_296] {strides = array<i32>} : memref<80xi32, #tpu.memory_space<vmem>>, vector<16xi32>,
        %get3A_298 = vector.shape_cast %get3A_297 : vector<16xi32> to vector<16xi32>
        %mul3A_299 = arith.constant 10000 : i32
        %mul3A_300 = vector.broadcast %mul3A_299 : i32 to vector<16xi32>
        %mul3A_301 = arith.muli %get3A_298, %mul3A_300 : vector<16xi32>
        %get3A_302 = arith.constant 0 : index
        %get3A_303 = tpu.vector_load %arg7[%get3A_302] {strides = array<i32>} : memref<80xi32, #tpu.memory_space<vmem>>, vector<16xi32>,
        %get3A_304 = vector.shape_cast %get3A_303 : vector<16xi32> to vector<16xi32>
        %add3A_305 = arith.addi %mul3A_301, %get3A_304 : vector<16xi32>
        %swap3A_306 = arith.constant 0 : index
        %swap3A_307 = tpu.vector_load %arg7[%swap3A_306] {strides = array<i32>} : memref<80xi32, #tpu.memory_space<vmem>>, vector<16xi32>,
        %swap3A_308 = vector.shape_cast %swap3A_307 : vector<16xi32> to vector<16xi32>
        %swap3A_309 = vector.shape_cast %add3A_305 : vector<16xi32> to vector<16xi32>
        tpu.vector_store %arg7[%swap3A_306], %swap3A_309 {strides = array<i32>} : memref<80xi32, #tpu.memory_space<vmem>>, vector<16xi32>,
        %get3A_310 = arith.constant 16 : index
        %get3A_311 = tpu.vector_load %arg9[%get3A_310] {strides = array<i32>} : memref<80xi32, #tpu.memory_space<vmem>>, vector<16xi32>,
        %get3A_312 = vector.shape_cast %get3A_311 : vector<16xi32> to vector<16xi32>
        %mul3A_313 = arith.constant 10000 : i32
        %mul3A_314 = vector.broadcast %mul3A_313 : i32 to vector<16xi32>
        %mul3A_315 = arith.muli %get3A_312, %mul3A_314 : vector<16xi32>
        %get3A_316 = arith.constant 16 : index
        %get3A_317 = tpu.vector_load %arg7[%get3A_316] {strides = array<i32>} : memref<80xi32, #tpu.memory_space<vmem>>, vector<16xi32>,
        %get3A_318 = vector.shape_cast %get3A_317 : vector<16xi32> to vector<16xi32>
        %add3A_319 = arith.addi %mul3A_315, %get3A_318 : vector<16xi32>
        %swap3A_320 = arith.constant 16 : index
        %swap3A_321 = tpu.vector_load %arg7[%swap3A_320] {strides = array<i32>} : memref<80xi32, #tpu.memory_space<vmem>>, vector<16xi32>,
        %swap3A_322 = vector.shape_cast %swap3A_321 : vector<16xi32> to vector<16xi32>
        %swap3A_323 = vector.shape_cast %add3A_319 : vector<16xi32> to vector<16xi32>
        tpu.vector_store %arg7[%swap3A_320], %swap3A_323 {strides = array<i32>} : memref<80xi32, #tpu.memory_space<vmem>>, vector<16xi32>,
        %get3A_324 = arith.constant 32 : index
        %get3A_325 = tpu.vector_load %arg9[%get3A_324] {strides = array<i32>} : memref<80xi32, #tpu.memory_space<vmem>>, vector<16xi32>,
        %get3A_326 = vector.shape_cast %get3A_325 : vector<16xi32> to vector<16xi32>
        %mul3A_327 = arith.constant 10000 : i32
        %mul3A_328 = vector.broadcast %mul3A_327 : i32 to vector<16xi32>
        %mul3A_329 = arith.muli %get3A_326, %mul3A_328 : vector<16xi32>
        %get3A_330 = arith.constant 32 : index
        %get3A_331 = tpu.vector_load %arg7[%get3A_330] {strides = array<i32>} : memref<80xi32, #tpu.memory_space<vmem>>, vector<16xi32>,
        %get3A_332 = vector.shape_cast %get3A_331 : vector<16xi32> to vector<16xi32>
        %add3A_333 = arith.addi %mul3A_329, %get3A_332 : vector<16xi32>
        %swap3A_334 = arith.constant 32 : index
        %swap3A_335 = tpu.vector_load %arg7[%swap3A_334] {strides = array<i32>} : memref<80xi32, #tpu.memory_space<vmem>>, vector<16xi32>,
        %swap3A_336 = vector.shape_cast %swap3A_335 : vector<16xi32> to vector<16xi32>
        %swap3A_337 = vector.shape_cast %add3A_333 : vector<16xi32> to vector<16xi32>
        tpu.vector_store %arg7[%swap3A_334], %swap3A_337 {strides = array<i32>} : memref<80xi32, #tpu.memory_space<vmem>>, vector<16xi32>,
        %get3A_338 = arith.constant 48 : index
        %get3A_339 = tpu.vector_load %arg9[%get3A_338] {strides = array<i32>} : memref<80xi32, #tpu.memory_space<vmem>>, vector<16xi32>,
        %get3A_340 = vector.shape_cast %get3A_339 : vector<16xi32> to vector<16xi32>
        %mul3A_341 = arith.constant 10000 : i32
        %mul3A_342 = vector.broadcast %mul3A_341 : i32 to vector<16xi32>
        %mul3A_343 = arith.muli %get3A_340, %mul3A_342 : vector<16xi32>
        %get3A_344 = arith.constant 48 : index
        %get3A_345 = tpu.vector_load %arg7[%get3A_344] {strides = array<i32>} : memref<80xi32, #tpu.memory_space<vmem>>, vector<16xi32>,
        %get3A_346 = vector.shape_cast %get3A_345 : vector<16xi32> to vector<16xi32>
        %add3A_347 = arith.addi %mul3A_343, %get3A_346 : vector<16xi32>
        %swap3A_348 = arith.constant 48 : index
        %swap3A_349 = tpu.vector_load %arg7[%swap3A_348] {strides = array<i32>} : memref<80xi32, #tpu.memory_space<vmem>>, vector<16xi32>,
        %swap3A_350 = vector.shape_cast %swap3A_349 : vector<16xi32> to vector<16xi32>
        %swap3A_351 = vector.shape_cast %add3A_347 : vector<16xi32> to vector<16xi32>
        tpu.vector_store %arg7[%swap3A_348], %swap3A_351 {strides = array<i32>} : memref<80xi32, #tpu.memory_space<vmem>>, vector<16xi32>,
        %get3A_352 = arith.constant 64 : index
        %get3A_353 = tpu.vector_load %arg9[%get3A_352] {strides = array<i32>} : memref<80xi32, #tpu.memory_space<vmem>>, vector<16xi32>,
        %get3A_354 = vector.shape_cast %get3A_353 : vector<16xi32> to vector<16xi32>
        %mul3A_355 = arith.constant 10000 : i32
        %mul3A_356 = vector.broadcast %mul3A_355 : i32 to vector<16xi32>
        %mul3A_357 = arith.muli %get3A_354, %mul3A_356 : vector<16xi32>
        %get3A_358 = arith.constant 64 : index
        %get3A_359 = tpu.vector_load %arg7[%get3A_358] {strides = array<i32>} : memref<80xi32, #tpu.memory_space<vmem>>, vector<16xi32>,
        %get3A_360 = vector.shape_cast %get3A_359 : vector<16xi32> to vector<16xi32>
        %add3A_361 = arith.addi %mul3A_357, %get3A_360 : vector<16xi32>
        %swap3A_362 = arith.constant 64 : index
        %swap3A_363 = tpu.vector_load %arg7[%swap3A_362] {strides = array<i32>} : memref<80xi32, #tpu.memory_space<vmem>>, vector<16xi32>,
        %swap3A_364 = vector.shape_cast %swap3A_363 : vector<16xi32> to vector<16xi32>
        %swap3A_365 = vector.shape_cast %add3A_361 : vector<16xi32> to vector<16xi32>
        tpu.vector_store %arg7[%swap3A_362], %swap3A_365 {strides = array<i32>} : memref<80xi32, #tpu.memory_space<vmem>>, vector<16xi32>,
        %ge3A = arith.constant 2 : i32
        %ge3A_366 = arith.cmpi sge, %add3A_217, %ge3A : i32
        %convert_element_type3A_367 = arith.extui %ge3A_366 : i1 to i32
        %cond3A_368 = arith.constant 0 : i32
        %cond3A_369 = arith.cmpi ne, %convert_element_type3A_367, %cond3A_368 : i32
        scf.if %cond3A_369 {
          %dma_wait3A_373 = arith.constant 0 : i32
          %dma_wait3A_374 = arith.constant 0 : i32
          %dma_wait3A_375 = tpu.memref_slice %arg36[%dma_wait3A_373, %dma_wait3A_374] : memref<10000x128xf32, #tpu.memory_space<vmem_shared>> -> memref<80x128xf32, #tpu.memory_space<vmem_shared>>
          %dma_wait3A_376 = arith.constant 0 : i32
          %dma_wait3A_377 = arith.constant 0 : i32
          %dma_wait3A_378 = tpu.memref_slice %arg36[%dma_wait3A_376, %dma_wait3A_377] : memref<10000x128xf32, #tpu.memory_space<vmem_shared>> -> memref<80x128xf32, #tpu.memory_space<vmem_shared>>
          tpu.wait_dma2 semaphore(%arg34 : memref<!tpu.dma_semaphore, #tpu.memory_space<semaphore_mem>>) src(%arg18 : memref<80x128xf32, #tpu.memory_space<vmem>>) dst(%dma_wait3A_378 : memref<80x128xf32, #tpu.memory_space<vmem_shared>>)
        } else {
        }
        %dma_start3A_370 = arith.constant 0 : i32
        %dma_start3A_371 = arith.constant 0 : i32
        %dma_start3A_372 = tpu.memref_slice %arg2[%dma_start3A_370, %dma_start3A_371] : memref<70000x128xf32, #tpu.memory_space<hbm>> -> memref<70000x128xf32, #tpu.memory_space<hbm>>
        tpu.enqueue_indirect_dma source(%dma_start3A_372 : memref<70000x128xf32, #tpu.memory_space<hbm>>) target(%arg18 : memref<80x128xf32, #tpu.memory_space<vmem>>) offsets(%arg7 : memref<80xi32, #tpu.memory_space<vmem>>) semaphore(%arg31 : memref<!tpu.dma_semaphore, #tpu.memory_space<semaphore_mem>>)
      } else {
      }
      %lt3A_225 = arith.constant 125 : i32
      %lt3A_226 = arith.cmpi slt, %add3A_217, %lt3A_225 : i32
      %convert_element_type3A_227 = arith.extui %lt3A_226 : i1 to i32
      %cond3A_228 = arith.constant 0 : i32
      %cond3A_229 = arith.cmpi ne, %convert_element_type3A_227, %cond3A_228 : i32
      scf.if %cond3A_229 {
        %dma_wait3A_284 = arith.constant 0 : i32
        %dma_wait3A_285 = arith.constant 0 : i32
        %dma_wait3A_286 = tpu.memref_slice %arg2[%dma_wait3A_284, %dma_wait3A_285] : memref<70000x128xf32, #tpu.memory_space<hbm>> -> memref<80x128xf32, #tpu.memory_space<hbm>>
        %dma_wait3A_287 = arith.constant 0 : i32
        %dma_wait3A_288 = arith.constant 0 : i32
        %dma_wait3A_289 = tpu.memref_slice %arg2[%dma_wait3A_287, %dma_wait3A_288] : memref<70000x128xf32, #tpu.memory_space<hbm>> -> memref<80x128xf32, #tpu.memory_space<hbm>>
        tpu.wait_dma2 semaphore(%arg30 : memref<!tpu.dma_semaphore, #tpu.memory_space<semaphore_mem>>) src(%dma_wait3A_289 : memref<80x128xf32, #tpu.memory_space<hbm>>) dst(%arg17 : memref<80x128xf32, #tpu.memory_space<vmem>>)
        %dma_start3A_290 = arith.constant 0 : i32
        %dma_start3A_291 = arith.constant 0 : i32
        %dma_start3A_292 = tpu.memref_slice %arg36[%dma_start3A_290, %dma_start3A_291] : memref<10000x128xf32, #tpu.memory_space<vmem_shared>> -> memref<10000x128xf32, #tpu.memory_space<vmem_shared>>
        tpu.enqueue_indirect_dma source(%arg17 : memref<80x128xf32, #tpu.memory_space<vmem>>) target(%dma_start3A_292 : memref<10000x128xf32, #tpu.memory_space<vmem_shared>>) offsets(%arg14 : memref<80xi32, #tpu.memory_space<vmem>>) semaphore(%arg33 : memref<!tpu.dma_semaphore, #tpu.memory_space<semaphore_mem>>) {add = true}
      } else {
      }
      %add3A_230 = arith.constant 2 : i32
      %add3A_231 = arith.addi %add3A_217, %add3A_230 : i32
      %lt3A_232 = arith.constant 125 : i32
      %lt3A_233 = arith.cmpi slt, %add3A_231, %lt3A_232 : i32
      %convert_element_type3A_234 = arith.extui %lt3A_233 : i1 to i32
      %cond3A_235 = arith.constant 0 : i32
      %cond3A_236 = arith.cmpi ne, %convert_element_type3A_234, %cond3A_235 : i32
      scf.if %cond3A_236 {
        %add3A_284 = arith.constant 2 : i32
        %add3A_285 = arith.addi %add3A_217, %add3A_284 : i32
        %mul3A_286 = arith.constant 80 : i32
        %mul3A_287 = arith.muli %add3A_285, %mul3A_286 : i32
        %add3A_288 = arith.addi %mul3A_2, %mul3A_287 : i32
        %dma_start3A_289 = tpu.memref_slice %arg3[%add3A_288] : memref<320000xi32, #tpu.memory_space<hbm>> -> memref<80xi32, #tpu.memory_space<hbm>>
        %dma_start3A_290 = tpu.memref_slice %arg3[%add3A_288] : memref<320000xi32, #tpu.memory_space<hbm>> -> memref<80xi32, #tpu.memory_space<hbm>>
        tpu.enqueue_dma source(%dma_start3A_290 : memref<80xi32, #tpu.memory_space<hbm>>) target(%arg8 : memref<80xi32, #tpu.memory_space<vmem>>) target_semaphore(%arg21 : memref<!tpu.dma_semaphore, #tpu.memory_space<semaphore_mem>>)
        %dma_start3A_291 = tpu.memref_slice %arg4[%add3A_288] : memref<320000xi32, #tpu.memory_space<hbm>> -> memref<80xi32, #tpu.memory_space<hbm>>
        %dma_start3A_292 = tpu.memref_slice %arg4[%add3A_288] : memref<320000xi32, #tpu.memory_space<hbm>> -> memref<80xi32, #tpu.memory_space<hbm>>
        tpu.enqueue_dma source(%dma_start3A_292 : memref<80xi32, #tpu.memory_space<hbm>>) target(%arg10 : memref<80xi32, #tpu.memory_space<vmem>>) target_semaphore(%arg23 : memref<!tpu.dma_semaphore, #tpu.memory_space<semaphore_mem>>)
        %dma_start3A_293 = tpu.memref_slice %arg5[%add3A_288] : memref<320000xi32, #tpu.memory_space<hbm>> -> memref<80xi32, #tpu.memory_space<hbm>>
        %dma_start3A_294 = tpu.memref_slice %arg5[%add3A_288] : memref<320000xi32, #tpu.memory_space<hbm>> -> memref<80xi32, #tpu.memory_space<hbm>>
        tpu.enqueue_dma source(%dma_start3A_294 : memref<80xi32, #tpu.memory_space<hbm>>) target(%arg16 : memref<80xi32, #tpu.memory_space<vmem>>) target_semaphore(%arg29 : memref<!tpu.dma_semaphore, #tpu.memory_space<semaphore_mem>>)
      } else {
      }
      %mul3A_237 = arith.constant 6 : i32
      %mul3A_238 = arith.muli %mul3A_237, %scan3A_146 : i32
      %add3A_239 = arith.constant 4 : i32
      %add3A_240 = arith.addi %mul3A_238, %add3A_239 : i32
      %add3A_241 = arith.constant 1 : i32
      %add3A_242 = arith.addi %add3A_240, %add3A_241 : i32
      %lt3A_243 = arith.constant 125 : i32
      %lt3A_244 = arith.cmpi slt, %add3A_242, %lt3A_243 : i32
      %convert_element_type3A_245 = arith.extui %lt3A_244 : i1 to i32
      %cond3A_246 = arith.constant 0 : i32
      %cond3A_247 = arith.cmpi ne, %convert_element_type3A_245, %cond3A_246 : i32
      scf.if %cond3A_247 {
        %dma_wait3A_284 = arith.constant 0 : i32
        %dma_wait3A_285 = tpu.memref_slice %arg3[%dma_wait3A_284] : memref<320000xi32, #tpu.memory_space<hbm>> -> memref<80xi32, #tpu.memory_space<hbm>>
        %dma_wait3A_286 = arith.constant 0 : i32
        %dma_wait3A_287 = tpu.memref_slice %arg3[%dma_wait3A_286] : memref<320000xi32, #tpu.memory_space<hbm>> -> memref<80xi32, #tpu.memory_space<hbm>>
        tpu.wait_dma2 semaphore(%arg21 : memref<!tpu.dma_semaphore, #tpu.memory_space<semaphore_mem>>) src(%dma_wait3A_287 : memref<80xi32, #tpu.memory_space<hbm>>) dst(%arg8 : memref<80xi32, #tpu.memory_space<vmem>>)
        %dma_wait3A_288 = arith.constant 0 : i32
        %dma_wait3A_289 = tpu.memref_slice %arg4[%dma_wait3A_288] : memref<320000xi32, #tpu.memory_space<hbm>> -> memref<80xi32, #tpu.memory_space<hbm>>
        %dma_wait3A_290 = arith.constant 0 : i32
        %dma_wait3A_291 = tpu.memref_slice %arg4[%dma_wait3A_290] : memref<320000xi32, #tpu.memory_space<hbm>> -> memref<80xi32, #tpu.memory_space<hbm>>
        tpu.wait_dma2 semaphore(%arg23 : memref<!tpu.dma_semaphore, #tpu.memory_space<semaphore_mem>>) src(%dma_wait3A_291 : memref<80xi32, #tpu.memory_space<hbm>>) dst(%arg10 : memref<80xi32, #tpu.memory_space<vmem>>)
        %dma_wait3A_292 = arith.constant 0 : i32
        %dma_wait3A_293 = tpu.memref_slice %arg5[%dma_wait3A_292] : memref<320000xi32, #tpu.memory_space<hbm>> -> memref<80xi32, #tpu.memory_space<hbm>>
        %dma_wait3A_294 = arith.constant 0 : i32
        %dma_wait3A_295 = tpu.memref_slice %arg5[%dma_wait3A_294] : memref<320000xi32, #tpu.memory_space<hbm>> -> memref<80xi32, #tpu.memory_space<hbm>>
        tpu.wait_dma2 semaphore(%arg29 : memref<!tpu.dma_semaphore, #tpu.memory_space<semaphore_mem>>) src(%dma_wait3A_295 : memref<80xi32, #tpu.memory_space<hbm>>) dst(%arg16 : memref<80xi32, #tpu.memory_space<vmem>>)
        %get3A_296 = arith.constant 0 : index
        %get3A_297 = tpu.vector_load %arg10[%get3A_296] {strides = array<i32>} : memref<80xi32, #tpu.memory_space<vmem>>, vector<16xi32>,
        %get3A_298 = vector.shape_cast %get3A_297 : vector<16xi32> to vector<16xi32>
        %mul3A_299 = arith.constant 10000 : i32
        %mul3A_300 = vector.broadcast %mul3A_299 : i32 to vector<16xi32>
        %mul3A_301 = arith.muli %get3A_298, %mul3A_300 : vector<16xi32>
        %get3A_302 = arith.constant 0 : index
        %get3A_303 = tpu.vector_load %arg8[%get3A_302] {strides = array<i32>} : memref<80xi32, #tpu.memory_space<vmem>>, vector<16xi32>,
        %get3A_304 = vector.shape_cast %get3A_303 : vector<16xi32> to vector<16xi32>
        %add3A_305 = arith.addi %mul3A_301, %get3A_304 : vector<16xi32>
        %swap3A_306 = arith.constant 0 : index
        %swap3A_307 = tpu.vector_load %arg8[%swap3A_306] {strides = array<i32>} : memref<80xi32, #tpu.memory_space<vmem>>, vector<16xi32>,
        %swap3A_308 = vector.shape_cast %swap3A_307 : vector<16xi32> to vector<16xi32>
        %swap3A_309 = vector.shape_cast %add3A_305 : vector<16xi32> to vector<16xi32>
        tpu.vector_store %arg8[%swap3A_306], %swap3A_309 {strides = array<i32>} : memref<80xi32, #tpu.memory_space<vmem>>, vector<16xi32>,
        %get3A_310 = arith.constant 16 : index
        %get3A_311 = tpu.vector_load %arg10[%get3A_310] {strides = array<i32>} : memref<80xi32, #tpu.memory_space<vmem>>, vector<16xi32>,
        %get3A_312 = vector.shape_cast %get3A_311 : vector<16xi32> to vector<16xi32>
        %mul3A_313 = arith.constant 10000 : i32
        %mul3A_314 = vector.broadcast %mul3A_313 : i32 to vector<16xi32>
        %mul3A_315 = arith.muli %get3A_312, %mul3A_314 : vector<16xi32>
        %get3A_316 = arith.constant 16 : index
        %get3A_317 = tpu.vector_load %arg8[%get3A_316] {strides = array<i32>} : memref<80xi32, #tpu.memory_space<vmem>>, vector<16xi32>,
        %get3A_318 = vector.shape_cast %get3A_317 : vector<16xi32> to vector<16xi32>
        %add3A_319 = arith.addi %mul3A_315, %get3A_318 : vector<16xi32>
        %swap3A_320 = arith.constant 16 : index
        %swap3A_321 = tpu.vector_load %arg8[%swap3A_320] {strides = array<i32>} : memref<80xi32, #tpu.memory_space<vmem>>, vector<16xi32>,
        %swap3A_322 = vector.shape_cast %swap3A_321 : vector<16xi32> to vector<16xi32>
        %swap3A_323 = vector.shape_cast %add3A_319 : vector<16xi32> to vector<16xi32>
        tpu.vector_store %arg8[%swap3A_320], %swap3A_323 {strides = array<i32>} : memref<80xi32, #tpu.memory_space<vmem>>, vector<16xi32>,
        %get3A_324 = arith.constant 32 : index
        %get3A_325 = tpu.vector_load %arg10[%get3A_324] {strides = array<i32>} : memref<80xi32, #tpu.memory_space<vmem>>, vector<16xi32>,
        %get3A_326 = vector.shape_cast %get3A_325 : vector<16xi32> to vector<16xi32>
        %mul3A_327 = arith.constant 10000 : i32
        %mul3A_328 = vector.broadcast %mul3A_327 : i32 to vector<16xi32>
        %mul3A_329 = arith.muli %get3A_326, %mul3A_328 : vector<16xi32>
        %get3A_330 = arith.constant 32 : index
        %get3A_331 = tpu.vector_load %arg8[%get3A_330] {strides = array<i32>} : memref<80xi32, #tpu.memory_space<vmem>>, vector<16xi32>,
        %get3A_332 = vector.shape_cast %get3A_331 : vector<16xi32> to vector<16xi32>
        %add3A_333 = arith.addi %mul3A_329, %get3A_332 : vector<16xi32>
        %swap3A_334 = arith.constant 32 : index
        %swap3A_335 = tpu.vector_load %arg8[%swap3A_334] {strides = array<i32>} : memref<80xi32, #tpu.memory_space<vmem>>, vector<16xi32>,
        %swap3A_336 = vector.shape_cast %swap3A_335 : vector<16xi32> to vector<16xi32>
        %swap3A_337 = vector.shape_cast %add3A_333 : vector<16xi32> to vector<16xi32>
        tpu.vector_store %arg8[%swap3A_334], %swap3A_337 {strides = array<i32>} : memref<80xi32, #tpu.memory_space<vmem>>, vector<16xi32>,
        %get3A_338 = arith.constant 48 : index
        %get3A_339 = tpu.vector_load %arg10[%get3A_338] {strides = array<i32>} : memref<80xi32, #tpu.memory_space<vmem>>, vector<16xi32>,
        %get3A_340 = vector.shape_cast %get3A_339 : vector<16xi32> to vector<16xi32>
        %mul3A_341 = arith.constant 10000 : i32
        %mul3A_342 = vector.broadcast %mul3A_341 : i32 to vector<16xi32>
        %mul3A_343 = arith.muli %get3A_340, %mul3A_342 : vector<16xi32>
        %get3A_344 = arith.constant 48 : index
        %get3A_345 = tpu.vector_load %arg8[%get3A_344] {strides = array<i32>} : memref<80xi32, #tpu.memory_space<vmem>>, vector<16xi32>,
        %get3A_346 = vector.shape_cast %get3A_345 : vector<16xi32> to vector<16xi32>
        %add3A_347 = arith.addi %mul3A_343, %get3A_346 : vector<16xi32>
        %swap3A_348 = arith.constant 48 : index
        %swap3A_349 = tpu.vector_load %arg8[%swap3A_348] {strides = array<i32>} : memref<80xi32, #tpu.memory_space<vmem>>, vector<16xi32>,
        %swap3A_350 = vector.shape_cast %swap3A_349 : vector<16xi32> to vector<16xi32>
        %swap3A_351 = vector.shape_cast %add3A_347 : vector<16xi32> to vector<16xi32>
        tpu.vector_store %arg8[%swap3A_348], %swap3A_351 {strides = array<i32>} : memref<80xi32, #tpu.memory_space<vmem>>, vector<16xi32>,
        %get3A_352 = arith.constant 64 : index
        %get3A_353 = tpu.vector_load %arg10[%get3A_352] {strides = array<i32>} : memref<80xi32, #tpu.memory_space<vmem>>, vector<16xi32>,
        %get3A_354 = vector.shape_cast %get3A_353 : vector<16xi32> to vector<16xi32>
        %mul3A_355 = arith.constant 10000 : i32
        %mul3A_356 = vector.broadcast %mul3A_355 : i32 to vector<16xi32>
        %mul3A_357 = arith.muli %get3A_354, %mul3A_356 : vector<16xi32>
        %get3A_358 = arith.constant 64 : index
        %get3A_359 = tpu.vector_load %arg8[%get3A_358] {strides = array<i32>} : memref<80xi32, #tpu.memory_space<vmem>>, vector<16xi32>,
        %get3A_360 = vector.shape_cast %get3A_359 : vector<16xi32> to vector<16xi32>
        %add3A_361 = arith.addi %mul3A_357, %get3A_360 : vector<16xi32>
        %swap3A_362 = arith.constant 64 : index
        %swap3A_363 = tpu.vector_load %arg8[%swap3A_362] {strides = array<i32>} : memref<80xi32, #tpu.memory_space<vmem>>, vector<16xi32>,
        %swap3A_364 = vector.shape_cast %swap3A_363 : vector<16xi32> to vector<16xi32>
        %swap3A_365 = vector.shape_cast %add3A_361 : vector<16xi32> to vector<16xi32>
        tpu.vector_store %arg8[%swap3A_362], %swap3A_365 {strides = array<i32>} : memref<80xi32, #tpu.memory_space<vmem>>, vector<16xi32>,
        %ge3A = arith.constant 2 : i32
        %ge3A_366 = arith.cmpi sge, %add3A_240, %ge3A : i32
        %convert_element_type3A_367 = arith.extui %ge3A_366 : i1 to i32
        %cond3A_368 = arith.constant 0 : i32
        %cond3A_369 = arith.cmpi ne, %convert_element_type3A_367, %cond3A_368 : i32
        scf.if %cond3A_369 {
          %dma_wait3A_373 = arith.constant 0 : i32
          %dma_wait3A_374 = arith.constant 0 : i32
          %dma_wait3A_375 = tpu.memref_slice %arg36[%dma_wait3A_373, %dma_wait3A_374] : memref<10000x128xf32, #tpu.memory_space<vmem_shared>> -> memref<80x128xf32, #tpu.memory_space<vmem_shared>>
          %dma_wait3A_376 = arith.constant 0 : i32
          %dma_wait3A_377 = arith.constant 0 : i32
          %dma_wait3A_378 = tpu.memref_slice %arg36[%dma_wait3A_376, %dma_wait3A_377] : memref<10000x128xf32, #tpu.memory_space<vmem_shared>> -> memref<80x128xf32, #tpu.memory_space<vmem_shared>>
          tpu.wait_dma2 semaphore(%arg35 : memref<!tpu.dma_semaphore, #tpu.memory_space<semaphore_mem>>) src(%arg19 : memref<80x128xf32, #tpu.memory_space<vmem>>) dst(%dma_wait3A_378 : memref<80x128xf32, #tpu.memory_space<vmem_shared>>)
        } else {
        }
        %dma_start3A_370 = arith.constant 0 : i32
        %dma_start3A_371 = arith.constant 0 : i32
        %dma_start3A_372 = tpu.memref_slice %arg2[%dma_start3A_370, %dma_start3A_371] : memref<70000x128xf32, #tpu.memory_space<hbm>> -> memref<70000x128xf32, #tpu.memory_space<hbm>>
        tpu.enqueue_indirect_dma source(%dma_start3A_372 : memref<70000x128xf32, #tpu.memory_space<hbm>>) target(%arg19 : memref<80x128xf32, #tpu.memory_space<vmem>>) offsets(%arg8 : memref<80xi32, #tpu.memory_space<vmem>>) semaphore(%arg32 : memref<!tpu.dma_semaphore, #tpu.memory_space<semaphore_mem>>)
      } else {
      }
      %lt3A_248 = arith.constant 125 : i32
      %lt3A_249 = arith.cmpi slt, %add3A_240, %lt3A_248 : i32
      %convert_element_type3A_250 = arith.extui %lt3A_249 : i1 to i32
      %cond3A_251 = arith.constant 0 : i32
      %cond3A_252 = arith.cmpi ne, %convert_element_type3A_250, %cond3A_251 : i32
      scf.if %cond3A_252 {
        %dma_wait3A_284 = arith.constant 0 : i32
        %dma_wait3A_285 = arith.constant 0 : i32
        %dma_wait3A_286 = tpu.memref_slice %arg2[%dma_wait3A_284, %dma_wait3A_285] : memref<70000x128xf32, #tpu.memory_space<hbm>> -> memref<80x128xf32, #tpu.memory_space<hbm>>
        %dma_wait3A_287 = arith.constant 0 : i32
        %dma_wait3A_288 = arith.constant 0 : i32
        %dma_wait3A_289 = tpu.memref_slice %arg2[%dma_wait3A_287, %dma_wait3A_288] : memref<70000x128xf32, #tpu.memory_space<hbm>> -> memref<80x128xf32, #tpu.memory_space<hbm>>
        tpu.wait_dma2 semaphore(%arg31 : memref<!tpu.dma_semaphore, #tpu.memory_space<semaphore_mem>>) src(%dma_wait3A_289 : memref<80x128xf32, #tpu.memory_space<hbm>>) dst(%arg18 : memref<80x128xf32, #tpu.memory_space<vmem>>)
        %dma_start3A_290 = arith.constant 0 : i32
        %dma_start3A_291 = arith.constant 0 : i32
        %dma_start3A_292 = tpu.memref_slice %arg36[%dma_start3A_290, %dma_start3A_291] : memref<10000x128xf32, #tpu.memory_space<vmem_shared>> -> memref<10000x128xf32, #tpu.memory_space<vmem_shared>>
        tpu.enqueue_indirect_dma source(%arg18 : memref<80x128xf32, #tpu.memory_space<vmem>>) target(%dma_start3A_292 : memref<10000x128xf32, #tpu.memory_space<vmem_shared>>) offsets(%arg15 : memref<80xi32, #tpu.memory_space<vmem>>) semaphore(%arg34 : memref<!tpu.dma_semaphore, #tpu.memory_space<semaphore_mem>>) {add = true}
      } else {
      }
      %add3A_253 = arith.constant 2 : i32
      %add3A_254 = arith.addi %add3A_240, %add3A_253 : i32
      %lt3A_255 = arith.constant 125 : i32
      %lt3A_256 = arith.cmpi slt, %add3A_254, %lt3A_255 : i32
      %convert_element_type3A_257 = arith.extui %lt3A_256 : i1 to i32
      %cond3A_258 = arith.constant 0 : i32
      %cond3A_259 = arith.cmpi ne, %convert_element_type3A_257, %cond3A_258 : i32
      scf.if %cond3A_259 {
        %add3A_284 = arith.constant 2 : i32
        %add3A_285 = arith.addi %add3A_240, %add3A_284 : i32
        %mul3A_286 = arith.constant 80 : i32
        %mul3A_287 = arith.muli %add3A_285, %mul3A_286 : i32
        %add3A_288 = arith.addi %mul3A_2, %mul3A_287 : i32
        %dma_start3A_289 = tpu.memref_slice %arg3[%add3A_288] : memref<320000xi32, #tpu.memory_space<hbm>> -> memref<80xi32, #tpu.memory_space<hbm>>
        %dma_start3A_290 = tpu.memref_slice %arg3[%add3A_288] : memref<320000xi32, #tpu.memory_space<hbm>> -> memref<80xi32, #tpu.memory_space<hbm>>
        tpu.enqueue_dma source(%dma_start3A_290 : memref<80xi32, #tpu.memory_space<hbm>>) target(%arg7 : memref<80xi32, #tpu.memory_space<vmem>>) target_semaphore(%arg20 : memref<!tpu.dma_semaphore, #tpu.memory_space<semaphore_mem>>)
        %dma_start3A_291 = tpu.memref_slice %arg4[%add3A_288] : memref<320000xi32, #tpu.memory_space<hbm>> -> memref<80xi32, #tpu.memory_space<hbm>>
        %dma_start3A_292 = tpu.memref_slice %arg4[%add3A_288] : memref<320000xi32, #tpu.memory_space<hbm>> -> memref<80xi32, #tpu.memory_space<hbm>>
        tpu.enqueue_dma source(%dma_start3A_292 : memref<80xi32, #tpu.memory_space<hbm>>) target(%arg9 : memref<80xi32, #tpu.memory_space<vmem>>) target_semaphore(%arg22 : memref<!tpu.dma_semaphore, #tpu.memory_space<semaphore_mem>>)
        %dma_start3A_293 = tpu.memref_slice %arg5[%add3A_288] : memref<320000xi32, #tpu.memory_space<hbm>> -> memref<80xi32, #tpu.memory_space<hbm>>
        %dma_start3A_294 = tpu.memref_slice %arg5[%add3A_288] : memref<320000xi32, #tpu.memory_space<hbm>> -> memref<80xi32, #tpu.memory_space<hbm>>
        tpu.enqueue_dma source(%dma_start3A_294 : memref<80xi32, #tpu.memory_space<hbm>>) target(%arg11 : memref<80xi32, #tpu.memory_space<vmem>>) target_semaphore(%arg24 : memref<!tpu.dma_semaphore, #tpu.memory_space<semaphore_mem>>)
      } else {
      }
      %mul3A_260 = arith.constant 6 : i32
      %mul3A_261 = arith.muli %mul3A_260, %scan3A_146 : i32
      %add3A_262 = arith.constant 5 : i32
      %add3A_263 = arith.addi %mul3A_261, %add3A_262 : i32
      %add3A_264 = arith.constant 1 : i32
      %add3A_265 = arith.addi %add3A_263, %add3A_264 : i32
      %lt3A_266 = arith.constant 125 : i32
      %lt3A_267 = arith.cmpi slt, %add3A_265, %lt3A_266 : i32
      %convert_element_type3A_268 = arith.extui %lt3A_267 : i1 to i32
      %cond3A_269 = arith.constant 0 : i32
      %cond3A_270 = arith.cmpi ne, %convert_element_type3A_268, %cond3A_269 : i32
      scf.if %cond3A_270 {
        %dma_wait3A_284 = arith.constant 0 : i32
        %dma_wait3A_285 = tpu.memref_slice %arg3[%dma_wait3A_284] : memref<320000xi32, #tpu.memory_space<hbm>> -> memref<80xi32, #tpu.memory_space<hbm>>
        %dma_wait3A_286 = arith.constant 0 : i32
        %dma_wait3A_287 = tpu.memref_slice %arg3[%dma_wait3A_286] : memref<320000xi32, #tpu.memory_space<hbm>> -> memref<80xi32, #tpu.memory_space<hbm>>
        tpu.wait_dma2 semaphore(%arg20 : memref<!tpu.dma_semaphore, #tpu.memory_space<semaphore_mem>>) src(%dma_wait3A_287 : memref<80xi32, #tpu.memory_space<hbm>>) dst(%arg7 : memref<80xi32, #tpu.memory_space<vmem>>)
        %dma_wait3A_288 = arith.constant 0 : i32
        %dma_wait3A_289 = tpu.memref_slice %arg4[%dma_wait3A_288] : memref<320000xi32, #tpu.memory_space<hbm>> -> memref<80xi32, #tpu.memory_space<hbm>>
        %dma_wait3A_290 = arith.constant 0 : i32
        %dma_wait3A_291 = tpu.memref_slice %arg4[%dma_wait3A_290] : memref<320000xi32, #tpu.memory_space<hbm>> -> memref<80xi32, #tpu.memory_space<hbm>>
        tpu.wait_dma2 semaphore(%arg22 : memref<!tpu.dma_semaphore, #tpu.memory_space<semaphore_mem>>) src(%dma_wait3A_291 : memref<80xi32, #tpu.memory_space<hbm>>) dst(%arg9 : memref<80xi32, #tpu.memory_space<vmem>>)
        %dma_wait3A_292 = arith.constant 0 : i32
        %dma_wait3A_293 = tpu.memref_slice %arg5[%dma_wait3A_292] : memref<320000xi32, #tpu.memory_space<hbm>> -> memref<80xi32, #tpu.memory_space<hbm>>
        %dma_wait3A_294 = arith.constant 0 : i32
        %dma_wait3A_295 = tpu.memref_slice %arg5[%dma_wait3A_294] : memref<320000xi32, #tpu.memory_space<hbm>> -> memref<80xi32, #tpu.memory_space<hbm>>
        tpu.wait_dma2 semaphore(%arg24 : memref<!tpu.dma_semaphore, #tpu.memory_space<semaphore_mem>>) src(%dma_wait3A_295 : memref<80xi32, #tpu.memory_space<hbm>>) dst(%arg11 : memref<80xi32, #tpu.memory_space<vmem>>)
        %get3A_296 = arith.constant 0 : index
        %get3A_297 = tpu.vector_load %arg9[%get3A_296] {strides = array<i32>} : memref<80xi32, #tpu.memory_space<vmem>>, vector<16xi32>,
        %get3A_298 = vector.shape_cast %get3A_297 : vector<16xi32> to vector<16xi32>
        %mul3A_299 = arith.constant 10000 : i32
        %mul3A_300 = vector.broadcast %mul3A_299 : i32 to vector<16xi32>
        %mul3A_301 = arith.muli %get3A_298, %mul3A_300 : vector<16xi32>
        %get3A_302 = arith.constant 0 : index
        %get3A_303 = tpu.vector_load %arg7[%get3A_302] {strides = array<i32>} : memref<80xi32, #tpu.memory_space<vmem>>, vector<16xi32>,
        %get3A_304 = vector.shape_cast %get3A_303 : vector<16xi32> to vector<16xi32>
        %add3A_305 = arith.addi %mul3A_301, %get3A_304 : vector<16xi32>
        %swap3A_306 = arith.constant 0 : index
        %swap3A_307 = tpu.vector_load %arg7[%swap3A_306] {strides = array<i32>} : memref<80xi32, #tpu.memory_space<vmem>>, vector<16xi32>,
        %swap3A_308 = vector.shape_cast %swap3A_307 : vector<16xi32> to vector<16xi32>
        %swap3A_309 = vector.shape_cast %add3A_305 : vector<16xi32> to vector<16xi32>
        tpu.vector_store %arg7[%swap3A_306], %swap3A_309 {strides = array<i32>} : memref<80xi32, #tpu.memory_space<vmem>>, vector<16xi32>,
        %get3A_310 = arith.constant 16 : index
        %get3A_311 = tpu.vector_load %arg9[%get3A_310] {strides = array<i32>} : memref<80xi32, #tpu.memory_space<vmem>>, vector<16xi32>,
        %get3A_312 = vector.shape_cast %get3A_311 : vector<16xi32> to vector<16xi32>
        %mul3A_313 = arith.constant 10000 : i32
        %mul3A_314 = vector.broadcast %mul3A_313 : i32 to vector<16xi32>
        %mul3A_315 = arith.muli %get3A_312, %mul3A_314 : vector<16xi32>
        %get3A_316 = arith.constant 16 : index
        %get3A_317 = tpu.vector_load %arg7[%get3A_316] {strides = array<i32>} : memref<80xi32, #tpu.memory_space<vmem>>, vector<16xi32>,
        %get3A_318 = vector.shape_cast %get3A_317 : vector<16xi32> to vector<16xi32>
        %add3A_319 = arith.addi %mul3A_315, %get3A_318 : vector<16xi32>
        %swap3A_320 = arith.constant 16 : index
        %swap3A_321 = tpu.vector_load %arg7[%swap3A_320] {strides = array<i32>} : memref<80xi32, #tpu.memory_space<vmem>>, vector<16xi32>,
        %swap3A_322 = vector.shape_cast %swap3A_321 : vector<16xi32> to vector<16xi32>
        %swap3A_323 = vector.shape_cast %add3A_319 : vector<16xi32> to vector<16xi32>
        tpu.vector_store %arg7[%swap3A_320], %swap3A_323 {strides = array<i32>} : memref<80xi32, #tpu.memory_space<vmem>>, vector<16xi32>,
        %get3A_324 = arith.constant 32 : index
        %get3A_325 = tpu.vector_load %arg9[%get3A_324] {strides = array<i32>} : memref<80xi32, #tpu.memory_space<vmem>>, vector<16xi32>,
        %get3A_326 = vector.shape_cast %get3A_325 : vector<16xi32> to vector<16xi32>
        %mul3A_327 = arith.constant 10000 : i32
        %mul3A_328 = vector.broadcast %mul3A_327 : i32 to vector<16xi32>
        %mul3A_329 = arith.muli %get3A_326, %mul3A_328 : vector<16xi32>
        %get3A_330 = arith.constant 32 : index
        %get3A_331 = tpu.vector_load %arg7[%get3A_330] {strides = array<i32>} : memref<80xi32, #tpu.memory_space<vmem>>, vector<16xi32>,
        %get3A_332 = vector.shape_cast %get3A_331 : vector<16xi32> to vector<16xi32>
        %add3A_333 = arith.addi %mul3A_329, %get3A_332 : vector<16xi32>
        %swap3A_334 = arith.constant 32 : index
        %swap3A_335 = tpu.vector_load %arg7[%swap3A_334] {strides = array<i32>} : memref<80xi32, #tpu.memory_space<vmem>>, vector<16xi32>,
        %swap3A_336 = vector.shape_cast %swap3A_335 : vector<16xi32> to vector<16xi32>
        %swap3A_337 = vector.shape_cast %add3A_333 : vector<16xi32> to vector<16xi32>
        tpu.vector_store %arg7[%swap3A_334], %swap3A_337 {strides = array<i32>} : memref<80xi32, #tpu.memory_space<vmem>>, vector<16xi32>,
        %get3A_338 = arith.constant 48 : index
        %get3A_339 = tpu.vector_load %arg9[%get3A_338] {strides = array<i32>} : memref<80xi32, #tpu.memory_space<vmem>>, vector<16xi32>,
        %get3A_340 = vector.shape_cast %get3A_339 : vector<16xi32> to vector<16xi32>
        %mul3A_341 = arith.constant 10000 : i32
        %mul3A_342 = vector.broadcast %mul3A_341 : i32 to vector<16xi32>
        %mul3A_343 = arith.muli %get3A_340, %mul3A_342 : vector<16xi32>
        %get3A_344 = arith.constant 48 : index
        %get3A_345 = tpu.vector_load %arg7[%get3A_344] {strides = array<i32>} : memref<80xi32, #tpu.memory_space<vmem>>, vector<16xi32>,
        %get3A_346 = vector.shape_cast %get3A_345 : vector<16xi32> to vector<16xi32>
        %add3A_347 = arith.addi %mul3A_343, %get3A_346 : vector<16xi32>
        %swap3A_348 = arith.constant 48 : index
        %swap3A_349 = tpu.vector_load %arg7[%swap3A_348] {strides = array<i32>} : memref<80xi32, #tpu.memory_space<vmem>>, vector<16xi32>,
        %swap3A_350 = vector.shape_cast %swap3A_349 : vector<16xi32> to vector<16xi32>
        %swap3A_351 = vector.shape_cast %add3A_347 : vector<16xi32> to vector<16xi32>
        tpu.vector_store %arg7[%swap3A_348], %swap3A_351 {strides = array<i32>} : memref<80xi32, #tpu.memory_space<vmem>>, vector<16xi32>,
        %get3A_352 = arith.constant 64 : index
        %get3A_353 = tpu.vector_load %arg9[%get3A_352] {strides = array<i32>} : memref<80xi32, #tpu.memory_space<vmem>>, vector<16xi32>,
        %get3A_354 = vector.shape_cast %get3A_353 : vector<16xi32> to vector<16xi32>
        %mul3A_355 = arith.constant 10000 : i32
        %mul3A_356 = vector.broadcast %mul3A_355 : i32 to vector<16xi32>
        %mul3A_357 = arith.muli %get3A_354, %mul3A_356 : vector<16xi32>
        %get3A_358 = arith.constant 64 : index
        %get3A_359 = tpu.vector_load %arg7[%get3A_358] {strides = array<i32>} : memref<80xi32, #tpu.memory_space<vmem>>, vector<16xi32>,
        %get3A_360 = vector.shape_cast %get3A_359 : vector<16xi32> to vector<16xi32>
        %add3A_361 = arith.addi %mul3A_357, %get3A_360 : vector<16xi32>
        %swap3A_362 = arith.constant 64 : index
        %swap3A_363 = tpu.vector_load %arg7[%swap3A_362] {strides = array<i32>} : memref<80xi32, #tpu.memory_space<vmem>>, vector<16xi32>,
        %swap3A_364 = vector.shape_cast %swap3A_363 : vector<16xi32> to vector<16xi32>
        %swap3A_365 = vector.shape_cast %add3A_361 : vector<16xi32> to vector<16xi32>
        tpu.vector_store %arg7[%swap3A_362], %swap3A_365 {strides = array<i32>} : memref<80xi32, #tpu.memory_space<vmem>>, vector<16xi32>,
        %ge3A = arith.constant 2 : i32
        %ge3A_366 = arith.cmpi sge, %add3A_263, %ge3A : i32
        %convert_element_type3A_367 = arith.extui %ge3A_366 : i1 to i32
        %cond3A_368 = arith.constant 0 : i32
        %cond3A_369 = arith.cmpi ne, %convert_element_type3A_367, %cond3A_368 : i32
        scf.if %cond3A_369 {
          %dma_wait3A_373 = arith.constant 0 : i32
          %dma_wait3A_374 = arith.constant 0 : i32
          %dma_wait3A_375 = tpu.memref_slice %arg36[%dma_wait3A_373, %dma_wait3A_374] : memref<10000x128xf32, #tpu.memory_space<vmem_shared>> -> memref<80x128xf32, #tpu.memory_space<vmem_shared>>
          %dma_wait3A_376 = arith.constant 0 : i32
          %dma_wait3A_377 = arith.constant 0 : i32
          %dma_wait3A_378 = tpu.memref_slice %arg36[%dma_wait3A_376, %dma_wait3A_377] : memref<10000x128xf32, #tpu.memory_space<vmem_shared>> -> memref<80x128xf32, #tpu.memory_space<vmem_shared>>
          tpu.wait_dma2 semaphore(%arg33 : memref<!tpu.dma_semaphore, #tpu.memory_space<semaphore_mem>>) src(%arg17 : memref<80x128xf32, #tpu.memory_space<vmem>>) dst(%dma_wait3A_378 : memref<80x128xf32, #tpu.memory_space<vmem_shared>>)
        } else {
        }
        %dma_start3A_370 = arith.constant 0 : i32
        %dma_start3A_371 = arith.constant 0 : i32
        %dma_start3A_372 = tpu.memref_slice %arg2[%dma_start3A_370, %dma_start3A_371] : memref<70000x128xf32, #tpu.memory_space<hbm>> -> memref<70000x128xf32, #tpu.memory_space<hbm>>
        tpu.enqueue_indirect_dma source(%dma_start3A_372 : memref<70000x128xf32, #tpu.memory_space<hbm>>) target(%arg17 : memref<80x128xf32, #tpu.memory_space<vmem>>) offsets(%arg7 : memref<80xi32, #tpu.memory_space<vmem>>) semaphore(%arg30 : memref<!tpu.dma_semaphore, #tpu.memory_space<semaphore_mem>>)
      } else {
      }
      %lt3A_271 = arith.constant 125 : i32
      %lt3A_272 = arith.cmpi slt, %add3A_263, %lt3A_271 : i32
      %convert_element_type3A_273 = arith.extui %lt3A_272 : i1 to i32
      %cond3A_274 = arith.constant 0 : i32
      %cond3A_275 = arith.cmpi ne, %convert_element_type3A_273, %cond3A_274 : i32
      scf.if %cond3A_275 {
        %dma_wait3A_284 = arith.constant 0 : i32
        %dma_wait3A_285 = arith.constant 0 : i32
        %dma_wait3A_286 = tpu.memref_slice %arg2[%dma_wait3A_284, %dma_wait3A_285] : memref<70000x128xf32, #tpu.memory_space<hbm>> -> memref<80x128xf32, #tpu.memory_space<hbm>>
        %dma_wait3A_287 = arith.constant 0 : i32
        %dma_wait3A_288 = arith.constant 0 : i32
        %dma_wait3A_289 = tpu.memref_slice %arg2[%dma_wait3A_287, %dma_wait3A_288] : memref<70000x128xf32, #tpu.memory_space<hbm>> -> memref<80x128xf32, #tpu.memory_space<hbm>>
        tpu.wait_dma2 semaphore(%arg32 : memref<!tpu.dma_semaphore, #tpu.memory_space<semaphore_mem>>) src(%dma_wait3A_289 : memref<80x128xf32, #tpu.memory_space<hbm>>) dst(%arg19 : memref<80x128xf32, #tpu.memory_space<vmem>>)
        %dma_start3A_290 = arith.constant 0 : i32
        %dma_start3A_291 = arith.constant 0 : i32
        %dma_start3A_292 = tpu.memref_slice %arg36[%dma_start3A_290, %dma_start3A_291] : memref<10000x128xf32, #tpu.memory_space<vmem_shared>> -> memref<10000x128xf32, #tpu.memory_space<vmem_shared>>
        tpu.enqueue_indirect_dma source(%arg19 : memref<80x128xf32, #tpu.memory_space<vmem>>) target(%dma_start3A_292 : memref<10000x128xf32, #tpu.memory_space<vmem_shared>>) offsets(%arg16 : memref<80xi32, #tpu.memory_space<vmem>>) semaphore(%arg35 : memref<!tpu.dma_semaphore, #tpu.memory_space<semaphore_mem>>) {add = true}
      } else {
      }
      %add3A_276 = arith.constant 2 : i32
      %add3A_277 = arith.addi %add3A_263, %add3A_276 : i32
      %lt3A_278 = arith.constant 125 : i32
      %lt3A_279 = arith.cmpi slt, %add3A_277, %lt3A_278 : i32
      %convert_element_type3A_280 = arith.extui %lt3A_279 : i1 to i32
      %cond3A_281 = arith.constant 0 : i32
      %cond3A_282 = arith.cmpi ne, %convert_element_type3A_280, %cond3A_281 : i32
      scf.if %cond3A_282 {
        %add3A_284 = arith.constant 2 : i32
        %add3A_285 = arith.addi %add3A_263, %add3A_284 : i32
        %mul3A_286 = arith.constant 80 : i32
        %mul3A_287 = arith.muli %add3A_285, %mul3A_286 : i32
        %add3A_288 = arith.addi %mul3A_2, %mul3A_287 : i32
        %dma_start3A_289 = tpu.memref_slice %arg3[%add3A_288] : memref<320000xi32, #tpu.memory_space<hbm>> -> memref<80xi32, #tpu.memory_space<hbm>>
        %dma_start3A_290 = tpu.memref_slice %arg3[%add3A_288] : memref<320000xi32, #tpu.memory_space<hbm>> -> memref<80xi32, #tpu.memory_space<hbm>>
        tpu.enqueue_dma source(%dma_start3A_290 : memref<80xi32, #tpu.memory_space<hbm>>) target(%arg8 : memref<80xi32, #tpu.memory_space<vmem>>) target_semaphore(%arg21 : memref<!tpu.dma_semaphore, #tpu.memory_space<semaphore_mem>>)
        %dma_start3A_291 = tpu.memref_slice %arg4[%add3A_288] : memref<320000xi32, #tpu.memory_space<hbm>> -> memref<80xi32, #tpu.memory_space<hbm>>
        %dma_start3A_292 = tpu.memref_slice %arg4[%add3A_288] : memref<320000xi32, #tpu.memory_space<hbm>> -> memref<80xi32, #tpu.memory_space<hbm>>
        tpu.enqueue_dma source(%dma_start3A_292 : memref<80xi32, #tpu.memory_space<hbm>>) target(%arg10 : memref<80xi32, #tpu.memory_space<vmem>>) target_semaphore(%arg23 : memref<!tpu.dma_semaphore, #tpu.memory_space<semaphore_mem>>)
        %dma_start3A_293 = tpu.memref_slice %arg5[%add3A_288] : memref<320000xi32, #tpu.memory_space<hbm>> -> memref<80xi32, #tpu.memory_space<hbm>>
        %dma_start3A_294 = tpu.memref_slice %arg5[%add3A_288] : memref<320000xi32, #tpu.memory_space<hbm>> -> memref<80xi32, #tpu.memory_space<hbm>>
        tpu.enqueue_dma source(%dma_start3A_294 : memref<80xi32, #tpu.memory_space<hbm>>) target(%arg12 : memref<80xi32, #tpu.memory_space<vmem>>) target_semaphore(%arg25 : memref<!tpu.dma_semaphore, #tpu.memory_space<semaphore_mem>>)
      } else {
      }
      %scan3A_283 = arith.constant 0 : i32
      scf.yield %scan3A_283 : i32
    }
    %scan3A_119 = arith.constant 21 : i32
    %dma_wait3A_120 = arith.constant 0 : i32
    %dma_wait3A_121 = arith.constant 0 : i32
    %dma_wait3A_122 = tpu.memref_slice %arg36[%dma_wait3A_120, %dma_wait3A_121] : memref<10000x128xf32, #tpu.memory_space<vmem_shared>> -> memref<80x128xf32, #tpu.memory_space<vmem_shared>>
    %dma_wait3A_123 = arith.constant 0 : i32
    %dma_wait3A_124 = arith.constant 0 : i32
    %dma_wait3A_125 = tpu.memref_slice %arg36[%dma_wait3A_123, %dma_wait3A_124] : memref<10000x128xf32, #tpu.memory_space<vmem_shared>> -> memref<80x128xf32, #tpu.memory_space<vmem_shared>>
    tpu.wait_dma2 semaphore(%arg35 : memref<!tpu.dma_semaphore, #tpu.memory_space<semaphore_mem>>) src(%arg19 : memref<80x128xf32, #tpu.memory_space<vmem>>) dst(%dma_wait3A_125 : memref<80x128xf32, #tpu.memory_space<vmem_shared>>)
    %dma_wait3A_126 = arith.constant 0 : i32
    %dma_wait3A_127 = arith.constant 0 : i32
    %dma_wait3A_128 = tpu.memref_slice %arg36[%dma_wait3A_126, %dma_wait3A_127] : memref<10000x128xf32, #tpu.memory_space<vmem_shared>> -> memref<80x128xf32, #tpu.memory_space<vmem_shared>>
    %dma_wait3A_129 = arith.constant 0 : i32
    %dma_wait3A_130 = arith.constant 0 : i32
    %dma_wait3A_131 = tpu.memref_slice %arg36[%dma_wait3A_129, %dma_wait3A_130] : memref<10000x128xf32, #tpu.memory_space<vmem_shared>> -> memref<80x128xf32, #tpu.memory_space<vmem_shared>>
    tpu.wait_dma2 semaphore(%arg33 : memref<!tpu.dma_semaphore, #tpu.memory_space<semaphore_mem>>) src(%arg17 : memref<80x128xf32, #tpu.memory_space<vmem>>) dst(%dma_wait3A_131 : memref<80x128xf32, #tpu.memory_space<vmem_shared>>)
    %dma_wait3A_132 = arith.constant 0 : i32
    %dma_wait3A_133 = arith.constant 0 : i32
    %dma_wait3A_134 = tpu.memref_slice %arg36[%dma_wait3A_132, %dma_wait3A_133] : memref<10000x128xf32, #tpu.memory_space<vmem_shared>> -> memref<80x128xf32, #tpu.memory_space<vmem_shared>>
    %dma_wait3A_135 = arith.constant 0 : i32
    %dma_wait3A_136 = arith.constant 0 : i32
    %dma_wait3A_137 = tpu.memref_slice %arg36[%dma_wait3A_135, %dma_wait3A_136] : memref<10000x128xf32, #tpu.memory_space<vmem_shared>> -> memref<80x128xf32, #tpu.memory_space<vmem_shared>>
    tpu.wait_dma2 semaphore(%arg34 : memref<!tpu.dma_semaphore, #tpu.memory_space<semaphore_mem>>) src(%arg18 : memref<80x128xf32, #tpu.memory_space<vmem>>) dst(%dma_wait3A_137 : memref<80x128xf32, #tpu.memory_space<vmem_shared>>)
    %barrier3A_138 = arith.constant 0 : index
    tpu.barrier barrier_id(%barrier3A_138)
    %scan3A_139 = arith.constant 0 : i32
    %scan3A_140 = arith.constant 0 : i32
    %scan3A_141 = arith.constant 8 : i32
    %scan3A_142 = arith.addi %scan3A_140, %scan3A_141 : i32
    %scan3A_143 = arith.constant 1 : i32
    %scan3A_144 = scf.for %scan3A_146 = %scan3A_140 to %scan3A_142 step %scan3A_143 iter_args(%scan3A_147 = %scan3A_139) -> (i32)  : i32 {
      %mul3A_148 = arith.constant 16 : i32
      %mul3A_149 = arith.muli %mul3A_148, %scan3A_146 : i32
      %add3A_150 = arith.addi %arg1, %mul3A_149 : i32
      %lt3A = arith.constant 125 : i32
      %lt3A_151 = arith.cmpi slt, %add3A_150, %lt3A : i32
      %convert_element_type3A = arith.extui %lt3A_151 : i1 to i32
      %cond3A = arith.constant 0 : i32
      %cond3A_152 = arith.cmpi ne, %convert_element_type3A, %cond3A : i32
      scf.if %cond3A_152 {
        %mul3A_154 = arith.constant 80 : i32
        %mul3A_155 = arith.muli %add3A_150, %mul3A_154 : i32
        %mul3A_156 = arith.constant 80 : i32
        %mul3A_157 = arith.muli %add3A_150, %mul3A_156 : i32
        "tpu.region"() ({
          %run_scoped3A = tpu.sem_alloc : memref<!tpu.dma_semaphore, #tpu.memory_space<semaphore_mem>>
          %dma_start3A_158 = arith.constant 0 : i32
          %dma_start3A_159 = tpu.memref_slice %arg6[%arg0, %mul3A_157, %dma_start3A_158] : memref<2x10000x128xf32, #tpu.memory_space<hbm>> -> memref<1x80x128xf32, #tpu.memory_space<hbm>>
          %dma_start3A_160 = tpu.memref_squeeze %dma_start3A_159 : memref<1x80x128xf32, #tpu.memory_space<hbm>> -> memref<80x128xf32, #tpu.memory_space<hbm>>
          %dma_start3A_161 = arith.constant 0 : i32
          %dma_start3A_162 = tpu.memref_slice %arg36[%mul3A_155, %dma_start3A_161] : memref<10000x128xf32, #tpu.memory_space<vmem_shared>> -> memref<80x128xf32, #tpu.memory_space<vmem_shared>>
          tpu.enqueue_dma source(%dma_start3A_162 : memref<80x128xf32, #tpu.memory_space<vmem_shared>>) target(%dma_start3A_160 : memref<80x128xf32, #tpu.memory_space<hbm>>) target_semaphore(%run_scoped3A : memref<!tpu.dma_semaphore, #tpu.memory_space<semaphore_mem>>)
          %dma_wait3A_163 = arith.constant 0 : i32
          %dma_wait3A_164 = tpu.memref_slice %arg6[%arg0, %mul3A_157, %dma_wait3A_163] : memref<2x10000x128xf32, #tpu.memory_space<hbm>> -> memref<1x80x128xf32, #tpu.memory_space<hbm>>
          %dma_wait3A_165 = tpu.memref_squeeze %dma_wait3A_164 : memref<1x80x128xf32, #tpu.memory_space<hbm>> -> memref<80x128xf32, #tpu.memory_space<hbm>>
          %dma_wait3A_166 = arith.constant 0 : i32
          %dma_wait3A_167 = tpu.memref_slice %arg36[%mul3A_155, %dma_wait3A_166] : memref<10000x128xf32, #tpu.memory_space<vmem_shared>> -> memref<80x128xf32, #tpu.memory_space<vmem_shared>>
          tpu.wait_dma2 semaphore(%run_scoped3A : memref<!tpu.dma_semaphore, #tpu.memory_space<semaphore_mem>>) src(%dma_wait3A_167 : memref<80x128xf32, #tpu.memory_space<vmem_shared>>) dst(%dma_wait3A_165 : memref<80x128xf32, #tpu.memory_space<hbm>>)
          tpu.yield
        }) : () -> ()
      } else {
      }
      %scan3A_153 = arith.constant 0 : i32
      scf.yield %scan3A_153 : i32
    }
    %scan3A_145 = arith.constant 8 : i32
    return
  }
}

module attributes {stable_mosaic.version = 14 : i64} {
  func.func @_ep_body(%arg0: i32, %arg1: memref<2x1000x128xf32, #tpu.memory_space<vmem>>, %arg2: memref<1x128xf32, #tpu.memory_space<vmem>>, %arg3: memref<1000x128xf32, #tpu.memory_space<vmem>>) attributes {dimension_semantics = [#tpu.dimension_semantics<arbitrary>], iteration_bounds = array<i64: 10>, scalar_prefetch = 0 : i64, scratch_operands = 0 : i64, tpu.core_type = #tpu.core_type<tc>, window_params = [{transform_indices = @transform_0, window_bounds = array<i64: 2, 1000, 128>}, {pipeline_mode = #tpu.pipeline_mode<synchronous>, transform_indices = @transform_1, window_bounds = array<i64: 1, 128>}, {transform_indices = @transform_2, window_bounds = array<i64: 1000, 128>}]} {
    %get3A = arith.constant 0 : index
    %get3A_0 = arith.constant 0 : index
    %get3A_1 = arith.constant 0 : index
    %get3A_2 = vector.load %arg1[%get3A, %get3A_0, %get3A_1] : memref<2x1000x128xf32, #tpu.memory_space<vmem>>, vector<1x1000x128xf32>
    %get3A_3 = vector.shape_cast %get3A_2 : vector<1x1000x128xf32> to vector<1000x128xf32>
    %get3A_4 = arith.constant 1 : index
    %get3A_5 = arith.constant 0 : index
    %get3A_6 = arith.constant 0 : index
    %get3A_7 = vector.load %arg1[%get3A_4, %get3A_5, %get3A_6] : memref<2x1000x128xf32, #tpu.memory_space<vmem>>, vector<1x1000x128xf32>
    %get3A_8 = vector.shape_cast %get3A_7 : vector<1x1000x128xf32> to vector<1000x128xf32>
    %add3A = arith.addf %get3A_3, %get3A_8 : vector<1000x128xf32>
    %mul3A = arith.constant 0.142857149 : f32
    %mul3A_9 = vector.broadcast %mul3A : f32 to vector<1000x128xf32>
    %mul3A_10 = arith.mulf %add3A, %mul3A_9 : vector<1000x128xf32>
    %get3A_11 = arith.constant 0 : index
    %get3A_12 = arith.constant 0 : index
    %get3A_13 = vector.load %arg2[%get3A_11, %get3A_12] : memref<1x128xf32, #tpu.memory_space<vmem>>, vector<1x128xf32>
    %add3A_14 = vector.broadcast %get3A_13 : vector<1x128xf32> to vector<1000x128xf32>
    %add3A_15 = arith.addf %mul3A_10, %add3A_14 : vector<1000x128xf32>
    %swap3A = arith.constant 0 : index
    %swap3A_16 = arith.constant 0 : index
    %swap3A_17 = vector.load %arg3[%swap3A, %swap3A_16] : memref<1000x128xf32, #tpu.memory_space<vmem>>, vector<1000x128xf32>
    tpu.vector_store %arg3[%swap3A, %swap3A_16], %add3A_15 {strides = array<i32>} : memref<1000x128xf32, #tpu.memory_space<vmem>>, vector<1000x128xf32>,
    return
  }
  func.func @transform_0(%arg0: i32) -> (i32, i32, i32) {
    %c0_i32 = arith.constant 0 : i32
    %c0_i32_0 = arith.constant 0 : i32
    %c0_i32_1 = arith.constant 0 : i32
    return %c0_i32, %arg0, %c0_i32_0 : i32, i32, i32
  }
  func.func @transform_1(%arg0: i32) -> (i32, i32) {
    %c0_i32 = arith.constant 0 : i32
    %c0_i32_0 = arith.constant 0 : i32
    %c0_i32_1 = arith.constant 0 : i32
    return %c0_i32, %c0_i32_0 : i32, i32
  }
  func.func @transform_2(%arg0: i32) -> (i32, i32) {
    %c0_i32 = arith.constant 0 : i32
    %c0_i32_0 = arith.constant 0 : i32
    return %arg0, %c0_i32 : i32, i32
  }
}

module attributes {stable_mosaic.version = 14 : i64} {
  func.func @_mm_body(%arg0: i32, %arg1: i32, %arg2: memref<1000x128xf32, #tpu.memory_space<vmem>>, %arg3: memref<1x128x128xf32, #tpu.memory_space<vmem>>, %arg4: memref<1000x128xf32, #tpu.memory_space<vmem>>) attributes {dimension_semantics = [#tpu.dimension_semantics<arbitrary>, #tpu.dimension_semantics<arbitrary>], iteration_bounds = array<i64: 10, 7>, scalar_prefetch = 0 : i64, scratch_operands = 0 : i64, tpu.core_type = #tpu.core_type<tc>, window_params = [{transform_indices = @transform_0, window_bounds = array<i64: 1000, 128>}, {transform_indices = @transform_1, window_bounds = array<i64: 1, 128, 128>}, {transform_indices = @transform_2, window_bounds = array<i64: 1000, 128>}]} {
    %get3A = arith.constant 0 : index
    %get3A_0 = arith.constant 0 : index
    %get3A_1 = vector.load %arg2[%get3A, %get3A_0] : memref<1000x128xf32, #tpu.memory_space<vmem>>, vector<1000x128xf32>
    %get3A_2 = arith.constant 0 : index
    %get3A_3 = arith.constant 0 : index
    %get3A_4 = arith.constant 0 : index
    %get3A_5 = vector.load %arg3[%get3A_2, %get3A_3, %get3A_4] : memref<1x128x128xf32, #tpu.memory_space<vmem>>, vector<1x128x128xf32>
    %get3A_6 = vector.shape_cast %get3A_5 : vector<1x128x128xf32> to vector<128x128xf32>
    %dot_general3A = arith.constant dense<0.000000e+00> : vector<1000x128xf32>
    %dot_general3A_7 = tpu.matmul %get3A_1, %get3A_6, %dot_general3A {dimension_numbers = #tpu.dot_dimension_numbers<[1], [0], [0], [1], [0, 0, 1, 1], [], []>, transpose_lhs_hint = false} : vector<1000x128xf32>, vector<128x128xf32>, vector<1000x128xf32> -> vector<1000x128xf32>
    %swap3A = arith.constant 0 : index
    %swap3A_8 = arith.constant 0 : index
    %swap3A_9 = vector.load %arg4[%swap3A, %swap3A_8] : memref<1000x128xf32, #tpu.memory_space<vmem>>, vector<1000x128xf32>
    tpu.vector_store %arg4[%swap3A, %swap3A_8], %dot_general3A_7 {strides = array<i32>} : memref<1000x128xf32, #tpu.memory_space<vmem>>, vector<1000x128xf32>,
    return
  }
  func.func @transform_0(%arg0: i32, %arg1: i32) -> (i32, i32) {
    %c0_i32 = arith.constant 0 : i32
    %c0_i32_0 = arith.constant 0 : i32
    return %arg0, %c0_i32 : i32, i32
  }
  func.func @transform_1(%arg0: i32, %arg1: i32) -> (i32, i32, i32) {
    %c0_i32 = arith.constant 0 : i32
    %c0_i32_0 = arith.constant 0 : i32
    %c0_i32_1 = arith.constant 0 : i32
    return %arg1, %c0_i32, %c0_i32_0 : i32, i32, i32
  }
  func.func @transform_2(%arg0: i32, %arg1: i32) -> (i32, i32) {
    %mul3A = arith.constant 10 : i32
    %mul3A_0 = arith.muli %arg1, %mul3A : i32
    %add3A = arith.addi %mul3A_0, %arg0 : i32
    %c0_i32 = arith.constant 0 : i32
    %c0_i32_1 = arith.constant 0 : i32
    return %add3A, %c0_i32 : i32, i32
  }
}

</mosaic_0001>

<sc_bundles>
// kernel: kernel.5.cloned.1.call-start
scs
__scs_entry_jumppad:
0x0: {  	(pc) =	sbr.rel $0x88, $3  }
0x1: {  	(tag) =	ssettag $0x0;
	lr =	simm.s32 $0x1  }
0x2: {  	[smem:$0x3F9C] =	sst lr;
	_ =	strace $0xD0000000  }
0x3: {  	_ = 	snop  }
0x4: {  	_ = 	snop  }
0x5: {  	_ = 	snop  }
0x6: {  	_ = 	snop  }
0x7: {  	_ = 	snop  }
__scs_overlays_trampoline_lowered:
0x8: {  	[smem:$0x3FAB] =	sst s0  }
0x9: {  	[smem:$0x3FAC] =	sst s1  }
0xa: {  	[smem:$0x3FAD] =	sst s2  }
0xb: {  	[smem:$0x3FAE] =	sst s3  }
0xc: {  	[smem:$0x3FAF] =	sst s4  }
0xd: {  	[smem:$0x3FB0] =	sst s5  }
0xe: {  	[smem:$0x3FB1] =	sst s6  }
0xf: {  	[smem:$0x3FB2] =	sst s7  }
0x10: {  	[smem:$0x3FB3] =	sst s8  }
0x11: {  	[smem:$0x3FB4] =	sst s9;
	s0 =	simm.s32 @!p0 $0x0  }
0x12: {  	s1 =	sld [smem:$0x3F9A];
	s0 =	simm.s32 @p0 $0x1  }
0x13: {  	[smem:$0x3FB5] =	sst s0;
	s0 =	simm.s32 @!p1 $0x0  }
0x14: {  	s2 =	sld [smem:$0x3F99];
	s0 =	simm.s32 @p1 $0x1  }
0x15: {  	[smem:$0x3FB6] =	sst s0;
	s0 =	simm.s32 @!p2 $0x0  }
0x16: {  	s3 =	sld [smem:$0x3FDB];
	s0 =	simm.s32 @p2 $0x1  }
0x17: {  	s4 =	simm.s32 $0x1BF5;
	[smem:$0x3FB8] =	sst s0  }
0x18: {  	s0 =	sld [smem:$0x3F9B];
	_ =	swait.ge [sflag:s4], $0x0  }
0x19: {  	s7 =	sld [smem:$0x3F9C]  }
0x1a: {  	s8 =	sadd.s32 $0xFFFFE003, lr  }
0x1b: {  	s9 =	sadd.s32 $0xFFFFFEF7, lr;
	s5 =	simm.s32 $0xFFFFFFFF;
	p2 =	slt.u32 s8, $0xFFFFF086  }
0x1c: {  	p1 =	slt.u32 s9, $0xF7A;
	s5 =	simm.s32 @!p2 $0x0  }
0x1d: {  	s5 =	simm.s32 @p1 $0x1;
	p0 =	seq.s32 s7, s2  }
0x1e: {  	s7 =	smul.u32 @!p0 $0xF7A, s2;
	p2 =	seq.s32 @!p0 s5, $0x0  }
0x1f: {  	s9 =	smul.u32 $0xF7A, s1;
	s8 =	simm.s32 @!p0 $0x1BF5;
	p2 =	por !p2, p0  }
0x20: {  	[sflag:s8] =	ssyncset.s32 @!p0 $0xFFFFF086;
	s6 =	sadd.s32 @!p0 s3, s7;
	s7 =	simm.s32 @!p0 $0x108  }
0x21: {  	s3 =	sadd.s32 s3, s9;
	s6 =	sadd.s32 @!p0 $0x88, s6;
	s7 =	simm.s32 @p2 $0x1082  }
0x22: {  	[simem:s7], [sflag:s8] =	dma.local @!p0 [hbm:s6], $0xF7A  }
0x23: {  	s9 =	sor.u32 $0xD0000000, s2;
	s6 =	simm.s32 $0x108;
	_ =	swait.ge @!p0 [sflag:s8], $0x0  }
0x24: {  	s3 =	sadd.s32 $0x88, s3;
	s6 =	simm.s32 @!p1 $0x1082;
	[sflag:s4] =	ssyncset.s32 $0xFFFFF086  }
0x25: {  	[simem:s6], [sflag:s4] =	dma.local [hbm:s3], $0xF7A  }
0x26: {  	[smem:$0x3F9C] =	sst s1;
	(tag) =	ssettag s2;
	_ =	strace s9  }
0x27: {  	s1 =	sld [smem:$0x3FAC]  }
0x28: {  	s2 =	sld [smem:$0x3FAD]  }
0x29: {  	s4 =	sld [smem:$0x3FAF]  }
0x2a: {  	p0 =	seq.s32 s5, $0x0;
	s5 =	sld [smem:$0x3FB0]  }
0x2b: {  	s6 =	sld [smem:$0x3FB1]  }
0x2c: {  	s7 =	sld [smem:$0x3FB2]  }
0x2d: {  	s3 =	simm.s32 $0x108;
	s8 =	sld [smem:$0x3FB3]  }
0x2e: {  	s3 =	simm.s32 @!p0 $0x1082;
	s9 =	sld [smem:$0x3FB4]  }
0x2f: {  	lr =	sadd.s32 s0, s3;
	s0 =	sld [smem:$0x3FAB]  }
0x30: {  	s3 =	sld [smem:$0x3FAE]  }
0x31: {  	[smem:$0x3FB7] =	sst s10  }
0x32: {  	s10 =	sld [smem:$0x3FB5];
	_ =	sdelay $0x3  }
0x33: {  	p0 =	seq.s32 s10, $0x1;
	s10 =	sld [smem:$0x3FB7];
	_ =	sdelay $0x3  }
0x34: {  	[smem:$0x3FB7] =	sst s10  }
0x35: {  	s10 =	sld [smem:$0x3FB6];
	_ =	sdelay $0x3  }
0x36: {  	p1 =	seq.s32 s10, $0x1;
	s10 =	sld [smem:$0x3FB7];
	_ =	sdelay $0x3  }
0x37: {  	[smem:$0x3FB7] =	sst s10  }
0x38: {  	s10 =	sld [smem:$0x3FB8]  }
0x39: {  	_ = 	snop;
	(pc) =	sbr.ind lr, $3  }
0x3a: {  	_ = 	snop  }
0x3b: {  	_ = 	snop  }
0x3c: {  	p2 =	seq.s32 s10, $0x1;
	s10 =	sld [smem:$0x3FB7]  }
0x3d: {  	_ =	shalt  }
0x3e: {  	_ =	shalt  }
0x3f: {  	_ =	shalt  }
0x40: {  	_ =	shalt  }
0x41: {  	_ =	shalt  }
0x42: {  	_ =	shalt  }
0x43: {  	_ =	shalt  }
0x44: {  	_ =	shalt  }
0x45: {  	_ =	shalt  }
0x46: {  	_ =	shalt  }
0x47: {  	_ =	shalt  }
0x48: {  	_ =	shalt  }
0x49: {  	_ =	shalt  }
0x4a: {  	_ =	shalt  }
0x4b: {  	_ =	shalt  }
0x4c: {  	_ =	shalt  }
0x4d: {  	_ =	shalt  }
0x4e: {  	_ =	shalt  }
0x4f: {  	_ =	shalt  }
0x50: {  	_ =	shalt  }
0x51: {  	_ =	shalt  }
0x52: {  	_ =	shalt  }
0x53: {  	_ =	shalt  }
0x54: {  	_ =	shalt  }
0x55: {  	_ =	shalt  }
0x56: {  	_ =	shalt  }
0x57: {  	_ =	shalt  }
0x58: {  	_ =	shalt  }
0x59: {  	_ =	shalt  }
0x5a: {  	_ =	shalt  }
0x5b: {  	_ =	shalt  }
0x5c: {  	_ =	shalt  }
0x5d: {  	_ =	shalt  }
0x5e: {  	_ =	shalt  }
0x5f: {  	_ =	shalt  }
0x60: {  	_ =	shalt  }
0x61: {  	_ =	shalt  }
0x62: {  	_ =	shalt  }
0x63: {  	_ =	shalt  }
0x64: {  	_ =	shalt  }
0x65: {  	_ =	shalt  }
0x66: {  	_ =	shalt  }
0x67: {  	_ =	shalt  }
0x68: {  	_ =	shalt  }
0x69: {  	_ =	shalt  }
0x6a: {  	_ =	shalt  }
0x6b: {  	_ =	shalt  }
0x6c: {  	_ =	shalt  }
0x6d: {  	_ =	shalt  }
0x6e: {  	_ =	shalt  }
0x6f: {  	_ =	shalt  }
0x70: {  	_ =	shalt  }
0x71: {  	_ =	shalt  }
0x72: {  	_ =	shalt  }
0x73: {  	_ =	shalt  }
0x74: {  	_ =	shalt  }
0x75: {  	_ =	shalt  }
0x76: {  	_ =	shalt  }
0x77: {  	_ =	shalt  }
0x78: {  	_ =	shalt  }
0x79: {  	_ =	shalt  }
0x7a: {  	_ =	shalt  }
0x7b: {  	_ =	shalt  }
0x7c: {  	_ =	shalt  }
0x7d: {  	_ =	shalt  }
0x7e: {  	_ =	shalt  }
0x7f: {  	_ =	shalt  }
0x80: {  	_ =	shalt  }
0x81: {  	_ =	shalt  }
0x82: {  	_ =	shalt  }
0x83: {  	_ =	shalt  }
0x84: {  	_ =	shalt  }
0x85: {  	_ =	shalt  }
0x86: {  	_ =	shalt  }
0x87: {  	_ =	shalt  }
.Lfunc_end0:
.L_simem_size_0:
called_computation_lowered:
.L_overlay_start_0:
0x88: {  	s2 =	sld [smem:$0x3FD9]  }
0x89: {  	s3 =	sld [smem:$0x3FFE];
	_ =	sdelay $0x1  }
0x8a: {  	s1 =	srdreg.scid  }
0x8b: {  	s0 =	sand.u32 $0x1, s1  }
0x8c: {  	s17 =	sshll.u32 s0, $0xA;
	s2 =	sadd.s32 s3, s2  }
0x8d: {  	s2 =	sadd.s32 s2, s17  }
0x8e: {  	[smem:$0x3FC3] =	sst s2  }
0x8f: {  	_ = 	snop  }
0x90: {  	s2 =	sld [smem:$0x3FC7]  }
0x91: {  	s18 =	sld [smem:$0x3FD0];
	(tm) =	ssettm $0x1  }
0x92: {  	s4 =	sld [smem:$0x3FFB];
	_ =	sdelay $0x3  }
0x93: {  	_ =	strace s4  }
0x94: {  	s4 =	sld [smem:$0x3FFC];
	_ =	sdelay $0x3  }
0x95: {  	_ =	strace s4  }
0x96: {  	s4 =	sld [smem:$0x3FFD];
	_ =	sdelay $0x3  }
0x97: {  	_ =	strace s4  }
0x98: {  	_ =	strace $0x8FFFFFFF  }
0x99: {  	s19 =	sld [smem:$0x3FDB];
	_ =	sdelay $0x1  }
0x9a: {  	s5 =	simm.s32 $_scs_section_size  }
0x9b: {  	s6 =	simm.s32 $_size__tile_overlayer_lowered;
	s7 =	simm.s32 $_tile_overlayer_lowered  }
0x9c: {  	s22 =	simm.s32 $0x1BFF;
	s21 =	sshll.u32 s7, $0x1;
	s4 =	sadd.s32 s5, s19  }
0x9d: {  	s8 =	simm.s32 $0x0;
	s20 =	sshll.u32 s6, $0x1;
	s6 =	sadd.s32 s21, s4  }
0x9e: {  	[timem:s8], [sflag:s22] =	dma.local [hbm:s6], s20  }
0x9f: {  	_ =	swait.ge [sflag:s22], s20  }
0xa0: {  	s5 =	ssub.s32 $0x0, s20;
	[sflag:s22] =	ssyncset.done $0x0  }
0xa1: {  	[sflag:s22] =	ssyncadd.s32 s5;
	_ =	sdelay $0x1  }
0xa2: {  	s23 =	simm.s32 $0x1B8B  }
0xa3: {  	_ =	swait.ge [sflag:s23], $0x1  }
0xa4: {  	[sflag:s23] =	ssyncset.done $0x0  }
0xa5: {  	s25 =	simm.s32 $0x1B8E;
	s24 =	sld [smem:$0x3FFE];
	[sflag:s23] =	ssyncadd.s32 $0xFFFFFFFF  }
0xa6: {  	s26 =	simm.s32 $execute0_lowered;
	[smem:$0x3FD2] =	sst s25  }
0xa7: {  	s6 =	sshll.u32 s26, $0x1;
	_ =	strace $0x80000046;
	[dreg:$0x1] =	wrdreg $0xFFFFFFFF  }
0xa8: {  	s28 =	simm.s32 $_size_execute0_lowered;
	s4 =	sadd.s32 s4, s6;
	[dreg:$0x0] =	wrdreg $0x0  }
0xa9: {  	s6 =	sshll.u32 s28, $0x1;
	[dreg:$0x2] =	wrdreg s4  }
0xaa: {  	[dreg:$0x3] =	wrdreg s6  }
0xab: {  	[dreg:$0x4] =	wrdreg $0xC0  }
0xac: {  	_ =	task [dreg:s8], $0x5FFFF  }
0xad: {  	[dreg:$0x1] =	wrdreg $0xFFFFFFFF  }
0xae: {  	[dreg:$0x0] =	wrdreg $0x60  }
0xaf: {  	[dreg:$0x2] =	wrdreg s24  }
0xb0: {  	[dreg:$0x3] =	wrdreg s2  }
0xb1: {  	[dreg:$0x4] =	wrdreg s18  }
0xb2: {  	[dreg:$0x5] =	wrdreg $0x7D000  }
0xb3: {  	[dreg:$0x6] =	wrdreg $0x9  }
0xb4: {  	_ =	task.clear_ibuf [dreg:s8], $0x7FFFF;
	_ =	strace $0x90000046  }
0xb5: {  	s29 =	simm.s32 $0x9;
	_ =	strace $0x80000048  }
0xb6: {  	_ =	swait.ge [sflag:s29], $0x1  }
0xb7: {  	[sflag:s29] =	ssyncadd.s32 $0xFFFFFFFF  }
0xb8: {  	_ =	strace $0x90000048  }
0xb9: {  	_ =	sfence  }
0xba: {  	s30 =	sld [smem:$0x0];
	_ =	sdelay $0x2  }
0xbb: {  	s31 =	sshll.u32 s1, $0xD;
	s1 =	sshrl.u32 s1, $0x2  }
0xbc: {  	s3 =	sand.u32 $0x4000, s31;
	s1 =	sadd.s32 s1, s30  }
0xbd: {  	s0 =	sor.u32 s3, s0;
	s1 =	sshll.u32 s1, $0x11  }
0xbe: {  	s0 =	sor.u32 s1, s0  }
0xbf: {  	s0 =	sadd.s32 $0x8F2B, s0  }
0xc0: {  	[sflag:s0] =	ssyncadd.remote.s32 $0x1  }
0xc1: {  	_ =	sfence.sel $0xFFFF  }
0xc2: {  	[dreg:$0x0] =	wrdreg $0xFFFFFFFF;
	(pc) =	sbr.abs _section_cstart, $3  }
0xc3: {  	[dreg:$0x1] =	wrdreg $0xFFFFFFFF  }
0xc4: {  	_ =	task.clear_ibuf [dreg:s8], $0x2FFFF;
	_ =	strace $0x9FFFFFFF  }
0xc5: {  	(tm) =	ssettm $0x7FFFFFFF  }
tec
execute0_lowered:
.L_overlay_start_1:
0x0: {  	(tag) =	ssettag $0x1  }
0x1: {  	s0 =	rddreg [dreg:$0x0]  }
0x2: {  	s21 =	rddreg [dreg:$0x1]  }
0x3: {  	s1 =	srdreg.scid;
	s22 =	rddreg [dreg:$0x2]  }
0x4: {  	s20 =	stileid.u32;
	s3 =	rddreg [dreg:$0x3];
	s4 =	simm.s32 $0x0  }
0x5: {  	s31 =	simm.s32 $0x11;
	s29 =	simm.s32 $0x1;
	s30 =	simm.s32 $0x3  }
0x6: {  	s28 =	simm.s32 $0x4;
	s1 =	sand.u32 $0x1, s1;
	s2 =	sshll.u32 s20, $0x1  }
0x7: {  	[smem:$0x7FF] =	sst s4;
	s6 =	sadd.s32 $0x11BA00, s0;
	s9 =	smul.u32 $0x2800, s20  }
0x8: {  	s10 =	sor.u32 $0x20, s20;
	s11 =	sor.u32 $0x30, s20;
	s8 =	smul.u32 $0x138800, s1  }
0x9: {  	s12 =	sor.u32 $0x40, s20;
	s13 =	sor.u32 $0x50, s20;
	s16 =	smul.u32 $0x2800, s10  }
0xa: {  	s15 =	sor.u32 $0x60, s20;
	s17 =	sor.u32 $0x70, s20;
	s24 =	smul.u32 $0x2800, s11  }
0xb: {  	s2 =	sor.u32 s1, s2;
	s5 =	ssub.s32 $0x2, s1;
	s26 =	smul.u32 $0x2800, s12  }
0xc: {  	s1 =	smul.u32 $0x2710, s1;
	p0 =	sgt.u32 s17, $0x7C;
	s7 =	sshrl.u32 s5, $0x1  }
0xd: {  	s2 =	smul.u32 $0x2710, s2;
	s5 =	ssub.s32 s5, s7;
	s9 =	sadd.s32 s8, s9  }
0xe: {  	s7 =	sor.u32 $0x10, s20;
	s23 =	sadd.s32 s8, s16;
	s9 =	sshrl.u32 s9, $0x3  }
0xf: {  	s18 =	sadd.s32 s8, s24;
	s14 =	smul.u32 $0x2800, s7;
	s9 =	sadd.s32 s6, s9  }
0x10: {  	s25 =	sshrl.u32 s23, $0x3;
	s5 =	smax.u32 s5, $0x1;
	[dreg:$0x5] =	wrdreg s9  }
0x11: {  	s19 =	sadd.s32 s8, s14;
	s14 =	sadd.s32 s8, s26;
	s26 =	smul.u32 $0x4E20, s20  }
0x12: {  	s9 =	sshrl.u32 s19, $0x3;
	s19 =	smul.u32 $0x2800, s13;
	s14 =	sshrl.u32 s14, $0x3  }
0x13: {  	s13 =	smul.u32 $0xA000, s13;
	s9 =	sadd.s32 s6, s9;
	s23 =	sadd.s32 s6, s14  }
0x14: {  	s1 =	sadd.s32 s1, s26;
	s26 =	smul.u32 $0xA000, s7;
	[dreg:$0x6] =	wrdreg s9  }
0x15: {  	s9 =	sadd.s32 s6, s25;
	s16 =	sadd.s32 s8, s19;
	[dreg:$0x9] =	wrdreg s23  }
0x16: {  	s19 =	smul.u32 $0x2800, s17;
	[dreg:$0x7] =	wrdreg s9;
	s9 =	sshrl.u32 s18, $0x3  }
0x17: {  	s18 =	smul.u32 $0x2800, s15;
	s24 =	sshrl.u32 s16, $0x3;
	s9 =	sadd.s32 s6, s9  }
0x18: {  	s16 =	sshrl.u32 s2, $0x3;
	s7 =	sshrl.u32 s26, $0x2;
	[dreg:$0x8] =	wrdreg s9  }
0x19: {  	s25 =	sadd.s32 s8, s18;
	s8 =	sadd.s32 s8, s19;
	s9 =	sadd.s32 s6, s24  }
0x1a: {  	s18 =	sadd.s32 s21, s16;
	s19 =	sadd.s32 $0xA, s16;
	s14 =	sshrl.u32 s25, $0x3  }
0x1b: {  	[dreg:$0xa] =	wrdreg s9;
	s8 =	sshrl.u32 s8, $0x3;
	s9 =	sadd.s32 s6, s14  }
0x1c: {  	s6 =	sadd.s32 s6, s8;
	s8 =	sadd.s32 $0x400, s0;
	[dreg:$0xb] =	wrdreg s9  }
0x1d: {  	s24 =	smul.u32 $0xA000, s20;
	[dreg:$0xc] =	wrdreg s6;
	s2 =	sadd.s32 s8, s16  }
0x1e: {  	s14 =	sadd.s32 $0xA200, s0;
	_ =	strace $0x80000047;
	[dreg:$0xe] =	wrdreg s2  }
0x1f: {  	s0 =	sadd.s32 s22, s16;
	s6 =	smul.u32 $0xA000, s10;
	[dreg:$0xf] =	wrdreg s18  }
0x20: {  	s23 =	sadd.s32 s8, s19;
	s9 =	smul.u32 $0xA000, s11;
	[dreg:$0x10] =	wrdreg s0  }
0x21: {  	s25 =	sadd.s32 s21, s19;
	s11 =	smul.u32 $0xA000, s12;
	[dreg:$0x11] =	wrdreg s23  }
0x22: {  	[dreg:$0x12] =	wrdreg s25;
	s2 =	sadd.s32 s22, s19;
	s18 =	smul.u32 $0xA000, s15  }
0x23: {  	[dreg:$0x14] =	wrdreg s5;
	s0 =	sshrl.u32 s24, $0x2;
	s19 =	smul.u32 $0xA000, s17  }
0x24: {  	s25 =	sadd.s32 $0x230, s1;
	s15 =	sadd.s32 $0xF0, s1;
	[dreg:$0xd] =	wrdreg s8  }
0x25: {  	[dreg:$0x13] =	wrdreg s2;
	s0 =	sadd.s32 s0, s3;
	s10 =	sshrl.u32 s6, $0x2  }
0x26: {  	s12 =	sshrl.u32 s9, $0x2;
	s16 =	sshrl.u32 s11, $0x2;
	s2 =	sshrl.u32 s13, $0x2  }
0x27: {  	s26 =	sshrl.u32 s25, $0x3;
	s6 =	sadd.s32 $0x190, s1;
	s13 =	sadd.s32 $0x140, s1  }
0x28: {  	[dreg:$0x15] =	wrdreg s0;
	s0 =	sadd.s32 s7, s3;
	s20 =	sadd.s32 s2, s3  }
0x29: {  	s23 =	sshrl.u32 s18, $0x2;
	s24 =	sshrl.u32 s19, $0x2;
	[dreg:$0x16] =	wrdreg s0  }
0x2a: {  	s2 =	sshrl.u32 s6, $0x3;
	s7 =	sadd.s32 s26, s22;
	[dreg:$0x1a] =	wrdreg s20  }
0x2b: {  	s9 =	sadd.s32 s26, s21;
	s6 =	simm.s32 $0x7;
	[dreg:$0x1d] =	wrdreg s7  }
0x2c: {  	s0 =	sadd.s32 s10, s3;
	[dreg:$0x1e] =	wrdreg s9;
	s10 =	sadd.s32 s2, s22  }
0x2d: {  	s11 =	sadd.s32 s2, s21;
	s7 =	simm.s32 $0x5500;
	[dreg:$0x17] =	wrdreg s0  }
0x2e: {  	s9 =	simm.s32 $0x0;
	s0 =	sadd.s32 s12, s3;
	[smem:$0x7F1] =	sst s10  }
0x2f: {  	[smem:$0x7F2] =	sst s11;
	s12 =	sadd.s32 s2, s8;
	s2 =	sshrl.u32 s15, $0x3  }
0x30: {  	s11 =	simm.s32 $0x200;
	s10 =	simm.s32 $0x2D00;
	[dreg:$0x18] =	wrdreg s0  }
0x31: {  	s0 =	sadd.s32 s16, s3;
	[smem:$0x7F3] =	sst s12;
	s16 =	sadd.s32 $0x1E0, s1  }
0x32: {  	s1 =	sadd.s32 $0xA0, s1;
	s20 =	sadd.s32 s2, s22;
	[dreg:$0x19] =	wrdreg s0  }
0x33: {  	s12 =	simm.s32 $0x8;
	s0 =	sadd.s32 s23, s3;
	[smem:$0x7F4] =	sst s16  }
0x34: {  	s19 =	sshrl.u32 s1, $0x3;
	[smem:$0x7F8] =	sst s20;
	s23 =	sadd.s32 s2, s21  }
0x35: {  	s1 =	simm.s32 $0x50;
	s16 =	simm.s32 $0xD;
	[dreg:$0x1b] =	wrdreg s0  }
0x36: {  	s20 =	simm.s32 $0x10;
	s0 =	sadd.s32 s24, s3;
	[smem:$0x7F9] =	sst s23  }
0x37: {  	s24 =	sadd.s32 s2, s8;
	s25 =	sadd.s32 s19, s22;
	[dreg:$0x1c] =	wrdreg s0  }
0x38: {  	s23 =	simm.s32 $0x80;
	s2 =	simm.s32 $0x2;
	[smem:$0x7FA] =	sst s24  }
0x39: {  	s0 =	sadd.s32 s26, s8;
	[smem:$0x7FB] =	sst s25;
	s26 =	sadd.s32 s19, s21  }
0x3a: {  	s24 =	simm.s32 $0x100;
	[dreg:$0x1f] =	wrdreg s0;
	s0 =	sshrl.u32 s13, $0x3  }
0x3b: {  	[smem:$0x7FC] =	sst s26;
	s26 =	simm.s32 $0x500;
	s17 =	sadd.s32 s0, s22  }
.Ltmp0:
0x3c: {  	s18 =	sadd.s32 s0, s21;
	[smem:$0x7F5] =	sst s17;
	(pc) =	sbr.rel .LBB2_1-.Ltmp0, $4  }
0x3d: {  	s13 =	simm.s32 $0xE;
	s0 =	sadd.s32 s0, s8;
	[smem:$0x7F6] =	sst s18  }
0x3e: {  	s22 =	simm.s32 $0x180;
	[smem:$0x7F7] =	sst s0;
	s0 =	sadd.s32 s19, s8  }
0x3f: {  	s17 =	simm.s32 $0x280;
	s8 =	simm.s32 $0xC;
	s18 =	simm.s32 $0x9  }
0x40: {  	v0 =	vimm.f32 $0.0e+00;
	s19 =	simm.s32 $0xF;
	[smem:$0x7FD] =	sst s0;
	s0 =	simm.s32 $0xB  }
.LBB2_6:
0x41: {  	_ =	swait.ge [sflag:s8], $0x2800  }
0x42: {  	[sflag:s8] =	ssyncset.done $0x0  }
0x43: {  	s5 =	simm.s32 $0x400;
	[sflag:s8] =	ssyncadd.s32 $0xFFFFD800  }
0x44: {  	[spmem:s3] =	stream.indirect.scatter.add.f32 [tilespmem:s10], [sflag:$0xF], $0x80, s5, s1, $0xb8;
	[tilespmem:$0x1B580] =	vst v63  }
0x45: {  	_ =	swait.ge [sflag:s20], $0x2800  }
0x46: {  	[sflag:s20] =	ssyncset.done $0x0  }
0x47: {  	[sflag:s20] =	ssyncadd.s32 $0xFFFFD800  }
0x48: {  	_ =	swait.ge [sflag:s13], $0x2800  }
0x49: {  	[sflag:s13] =	ssyncset.done $0x0  }
0x4a: {  	[sflag:s13] =	ssyncadd.s32 $0xFFFFD800  }
0x4b: {  	_ =	swait.ge [sflag:s19], $0x2800  }
0x4c: {  	[sflag:s19] =	ssyncset.done $0x0  }
0x4d: {  	[sflag:s19] =	ssyncadd.s32 $0xFFFFD800  }
0x4e: {  	s24 =	stileid.u32;
	[bflag:$0x0] =	sbarrier.arrive $0xFFFF  }
0x4f: {  	s31 =	simm.s32 $0x11;
	s5 =	sshll.u32 s24, $0x6;
	s11 =	rddreg [dreg:$0x15]  }
0x50: {  	s5 =	sor.u32 $0x1C11, s5;
	s21 =	rddreg [dreg:$0x5];
	s11 =	sshrl.u32 s11, $0x3  }
0x51: {  	[hbm:s21], [sflag:s5] =	dma.local [spmem:s11], $0x500  }
0x52: {  	_ =	swait.ge [sflag:s31], $0x500  }
0x53: {  	[sflag:s31] =	ssyncset.done $0x0;
	s25 =	rddreg [dreg:$0x16]  }
0x54: {  	s9 =	rddreg [dreg:$0x6];
	[sflag:s31] =	ssyncadd.s32 $0xFFFFFB00;
	s11 =	sshrl.u32 s25, $0x3  }
0x55: {  	[hbm:s9], [sflag:s5] =	dma.local [spmem:s11], $0x500  }
0x56: {  	_ =	swait.ge [sflag:s31], $0x500  }
0x57: {  	[sflag:s31] =	ssyncset.done $0x0;
	s15 =	rddreg [dreg:$0x17]  }
0x58: {  	s17 =	rddreg [dreg:$0x7];
	[sflag:s31] =	ssyncadd.s32 $0xFFFFFB00;
	s11 =	sshrl.u32 s15, $0x3  }
0x59: {  	[hbm:s17], [sflag:s5] =	dma.local [spmem:s11], $0x500  }
0x5a: {  	_ =	swait.ge [sflag:s31], $0x500  }
0x5b: {  	[sflag:s31] =	ssyncset.done $0x0;
	s21 =	rddreg [dreg:$0x18]  }
0x5c: {  	s24 =	rddreg [dreg:$0x8];
	[sflag:s31] =	ssyncadd.s32 $0xFFFFFB00;
	s11 =	sshrl.u32 s21, $0x3  }
0x5d: {  	[hbm:s24], [sflag:s5] =	dma.local [spmem:s11], $0x500  }
0x5e: {  	_ =	swait.ge [sflag:s31], $0x500  }
0x5f: {  	[sflag:s31] =	ssyncset.done $0x0;
	s25 =	rddreg [dreg:$0x19]  }
0x60: {  	s9 =	rddreg [dreg:$0x9];
	[sflag:s31] =	ssyncadd.s32 $0xFFFFFB00;
	s11 =	sshrl.u32 s25, $0x3  }
0x61: {  	[hbm:s9], [sflag:s5] =	dma.local [spmem:s11], $0x500  }
0x62: {  	_ =	swait.ge [sflag:s31], $0x500  }
0x63: {  	[sflag:s31] =	ssyncset.done $0x0;
	s15 =	rddreg [dreg:$0x1a]  }
0x64: {  	s17 =	rddreg [dreg:$0xa];
	[sflag:s31] =	ssyncadd.s32 $0xFFFFFB00;
	s11 =	sshrl.u32 s15, $0x3  }
0x65: {  	[hbm:s17], [sflag:s5] =	dma.local [spmem:s11], $0x500  }
0x66: {  	_ =	swait.ge [sflag:s31], $0x500  }
0x67: {  	[sflag:s31] =	ssyncset.done $0x0;
	s21 =	rddreg [dreg:$0x1b]  }
0x68: {  	s24 =	rddreg [dreg:$0xb];
	[sflag:s31] =	ssyncadd.s32 $0xFFFFFB00;
	s11 =	sshrl.u32 s21, $0x3  }
0x69: {  	[hbm:s24], [sflag:s5] =	dma.local [spmem:s11], $0x500  }
0x6a: {  	_ =	swait.ge [sflag:s31], $0x500  }
0x6b: {  	[sflag:s31] =	ssyncset.done $0x0;
	s11 =	rddreg [dreg:$0x1c]  }
0x6c: {  	s21 =	rddreg [dreg:$0xc];
	[sflag:s31] =	ssyncadd.s32 $0xFFFFFB00;
	s11 =	sshrl.u32 @!p0 s11, $0x3  }
0x6d: {  	[hbm:s21], [sflag:s5] =	dma.local @!p0 [spmem:s11], $0x500  }
0x6e: {  	s5 =	simm.s32 @!p0 $0x11  }
0x6f: {  	_ =	swait.ge @!p0 [sflag:s5], $0x500  }
0x70: {  	s9 =	sld [smem:$0x7F0];
	_ =	sdelay $0x2  }
0x71: {  	s25 =	rddreg [dreg:$0x14];
	s9 =	sadd.s32 $0x1, s9  }
0x72: {  	p1 =	sne.s32 s9, s25  }
.Ltmp1:
0x73: {  	_ = 	snop;
	(pc) =	sbr.rel @!p1 .LBB2_7-.Ltmp1, $3  }
0x74: {  	_ =	sdelay $0x1  }
0x75: {  	s22 =	simm.s32 $0x180;
	s17 =	simm.s32 $0x280;
	[sflag:s5] =	ssyncset.done @!p0 $0x0  }
0x76: {  	s24 =	simm.s32 $0x100;
	s11 =	simm.s32 $0x200;
	[sflag:s5] =	ssyncadd.s32 @!p0 $0xFFFFFB00  }
.LBB2_1:
0x77: {  	[smem:$0x7F0] =	sst s9  }
0x78: {  	s5 =	rddreg [dreg:$0xe]  }
0x79: {  	[tilespmem:s4], [sflag:$0x1] =	stream.linear.gather [hbm4b:s5+s4], $0x50, $0x38;
	[tilespmem:$0x1B580] =	vst v63  }
0x7a: {  	s25 =	rddreg [dreg:$0xf]  }
0x7b: {  	[tilespmem:s24], [sflag:$0x3] =	stream.linear.gather [hbm4b:s25+s4], $0x50, $0x38;
	[tilespmem:$0x1B580] =	vst v63  }
0x7c: {  	s9 =	rddreg [dreg:$0x10]  }
0x7d: {  	[tilespmem:s11], [sflag:$0x5] =	stream.linear.gather [hbm4b:s9+s4], $0x50, $0x38;
	[tilespmem:$0x1B580] =	vst v63  }
0x7e: {  	s15 =	rddreg [dreg:$0x11]  }
0x7f: {  	[tilespmem:s23], [sflag:$0x2] =	stream.linear.gather [hbm4b:s15+s4], $0x50, $0x38;
	[tilespmem:$0x1B580] =	vst v63  }
0x80: {  	s21 =	rddreg [dreg:$0x12]  }
0x81: {  	[tilespmem:s22], [sflag:$0x4] =	stream.linear.gather [hbm4b:s21+s4], $0x50, $0x38;
	[tilespmem:$0x1B580] =	vst v63  }
0x82: {  	s25 =	rddreg [dreg:$0x13]  }
0x83: {  	[tilespmem:s17], [sflag:$0x6] =	stream.linear.gather [hbm4b:s25+s4], $0x50, $0x38;
	[tilespmem:$0x1B580] =	vst v63  }
0x84: {  	s21 =	simm.s32 $0x0;
	s25 =	simm.s32 $0x200  }
.LBB2_2:
0x85: {  	p1 =	sne.s32 s25, $0x9E00;
	[tilespmem:s21+$0x570] =	vst v0  }
0x86: {  	[tilespmem:s21+$0x500] =	vst v0  }
0x87: {  	[tilespmem:s21+$0x510] =	vst v0  }
.Ltmp2:
0x88: {  	[tilespmem:s21+$0x520] =	vst v0;
	(pc) =	sbr.rel @p1 .LBB2_2-.Ltmp2, $4  }
0x89: {  	[tilespmem:s21+$0x530] =	vst v0  }
0x8a: {  	[tilespmem:s21+$0x540] =	vst v0  }
0x8b: {  	[tilespmem:s21+$0x550] =	vst v0  }
0x8c: {  	[tilespmem:s21+$0x560] =	vst v0;
	s21 =	sshra.s32 s25, $0x2;
	s25 =	sadd.s32 $0x200, s25  }
0x8d: {  	[tilespmem:s21+$0x570] =	vst v0  }
0x8e: {  	[tilespmem:s21+$0x500] =	vst v0  }
0x8f: {  	[tilespmem:s21+$0x510] =	vst v0  }
0x90: {  	[tilespmem:s21+$0x520] =	vst v0  }
0x91: {  	[tilespmem:s21+$0x530] =	vst v0  }
0x92: {  	[tilespmem:s21+$0x540] =	vst v0  }
0x93: {  	[tilespmem:s21+$0x550] =	vst v0  }
0x94: {  	[tilespmem:s21+$0x560] =	vst v0;
	s5 =	rddreg [dreg:$0x15]  }
0x95: {  	[spmem:s5] =	stream.linear.scatter [tilespmem:s26], [sflag:$0x11], $0x2800, $0x38;
	[tilespmem:$0x1B580] =	vst v63  }
0x96: {  	_ =	swait.ge [sflag:s31], $0x2800  }
0x97: {  	[sflag:s31] =	ssyncset.done $0x0  }
0x98: {  	s25 =	rddreg [dreg:$0x16];
	[sflag:s31] =	ssyncadd.s32 $0xFFFFD800  }
0x99: {  	[spmem:s25] =	stream.linear.scatter [tilespmem:s26], [sflag:$0x11], $0x2800, $0x38;
	[tilespmem:$0x1B580] =	vst v63  }
0x9a: {  	_ =	swait.ge [sflag:s31], $0x2800  }
0x9b: {  	[sflag:s31] =	ssyncset.done $0x0  }
0x9c: {  	s9 =	rddreg [dreg:$0x17];
	[sflag:s31] =	ssyncadd.s32 $0xFFFFD800  }
0x9d: {  	[spmem:s9] =	stream.linear.scatter [tilespmem:s26], [sflag:$0x11], $0x2800, $0x38;
	[tilespmem:$0x1B580] =	vst v63  }
0x9e: {  	_ =	swait.ge [sflag:s31], $0x2800  }
0x9f: {  	[sflag:s31] =	ssyncset.done $0x0  }
0xa0: {  	s15 =	rddreg [dreg:$0x18];
	[sflag:s31] =	ssyncadd.s32 $0xFFFFD800  }
0xa1: {  	[spmem:s15] =	stream.linear.scatter [tilespmem:s26], [sflag:$0x11], $0x2800, $0x38;
	[tilespmem:$0x1B580] =	vst v63  }
0xa2: {  	_ =	swait.ge [sflag:s31], $0x2800  }
0xa3: {  	[sflag:s31] =	ssyncset.done $0x0  }
0xa4: {  	s21 =	rddreg [dreg:$0x19];
	[sflag:s31] =	ssyncadd.s32 $0xFFFFD800  }
0xa5: {  	[spmem:s21] =	stream.linear.scatter [tilespmem:s26], [sflag:$0x11], $0x2800, $0x38;
	[tilespmem:$0x1B580] =	vst v63  }
0xa6: {  	_ =	swait.ge [sflag:s31], $0x2800  }
0xa7: {  	[sflag:s31] =	ssyncset.done $0x0  }
0xa8: {  	s22 =	rddreg [dreg:$0x1a];
	[sflag:s31] =	ssyncadd.s32 $0xFFFFD800  }
0xa9: {  	[spmem:s22] =	stream.linear.scatter [tilespmem:s26], [sflag:$0x11], $0x2800, $0x38;
	[tilespmem:$0x1B580] =	vst v63  }
0xaa: {  	_ =	swait.ge [sflag:s31], $0x2800  }
0xab: {  	[sflag:s31] =	ssyncset.done $0x0  }
0xac: {  	s25 =	rddreg [dreg:$0x1b];
	[sflag:s31] =	ssyncadd.s32 $0xFFFFD800  }
0xad: {  	[spmem:s25] =	stream.linear.scatter [tilespmem:s26], [sflag:$0x11], $0x2800, $0x38;
	[tilespmem:$0x1B580] =	vst v63  }
0xae: {  	_ =	swait.ge [sflag:s31], $0x2800  }
0xaf: {  	[sflag:s31] =	ssyncset.done $0x0  }
0xb0: {  	s21 =	simm.s32 @!p0 $0x500;
	s5 =	rddreg [dreg:$0x1c];
	[sflag:s31] =	ssyncadd.s32 $0xFFFFD800  }
0xb1: {  	[spmem:s5] =	stream.linear.scatter @!p0 [tilespmem:s21], [sflag:$0x11], $0x2800, $0x38;
	[tilespmem:$0x1B580] =	vst v63  }
0xb2: {  	s21 =	simm.s32 @!p0 $0x11  }
0xb3: {  	_ =	swait.ge @!p0 [sflag:s21], $0x2800  }
0xb4: {  	[sflag:s21] =	ssyncset.done @!p0 $0x0  }
0xb5: {  	[sflag:s21] =	ssyncadd.s32 @!p0 $0xFFFFD800  }
0xb6: {  	[bflag:$0x0] =	sbarrier.arrive $0xFFFF  }
0xb7: {  	_ =	swait.ge [sflag:s29], $0x50  }
0xb8: {  	[sflag:s29] =	ssyncset.done $0x0  }
0xb9: {  	[sflag:s29] =	ssyncadd.s32 $0xFFFFFFB0  }
0xba: {  	_ =	swait.ge [sflag:s30], $0x50  }
0xbb: {  	[sflag:s30] =	ssyncset.done $0x0  }
0xbc: {  	s31 =	simm.s32 $0x5;
	[sflag:s30] =	ssyncadd.s32 $0xFFFFFFB0  }
0xbd: {  	_ =	swait.ge [sflag:s31], $0x50  }
0xbe: {  	[sflag:s31] =	ssyncset.done $0x0  }
0xbf: {  	[sflag:s31] =	ssyncadd.s32 $0xFFFFFFB0  }
0xc0: {  	v1 =	vld [tilespmem:$0x100]  }
0xc1: {  	v2 =	vld [tilespmem:$0x0]  }
0xc2: {  	v3 =	vld [tilespmem:$0x110]  }
0xc3: {  	v4 =	vld [tilespmem:$0x10]  }
0xc4: {  	v5 =	vld [tilespmem:$0x120]  }
0xc5: {  	v6 =	vld [tilespmem:$0x20]  }
0xc6: {  	v7 =	vld [tilespmem:$0x130]  }
0xc7: {  	v8 =	vld [tilespmem:$0x140]  }
0xc8: {  	v9 =	vld [tilespmem:$0x30];
	v1 =	vmul.u32 $0x2710, v1  }
0xc9: {  	v10 =	vld [tilespmem:$0x40];
	v3 =	vmul.u32 $0x2710, v3  }
0xca: {  	v1 =	vadd.s32 v2, v1;
	v2 =	vmul.u32 $0x2710, v5  }
0xcb: {  	[tilespmem:$0x0] =	vst v1;
	v1 =	vadd.s32 v4, v3;
	v3 =	vmul.u32 $0x2710, v7  }
0xcc: {  	[tilespmem:$0x10] =	vst v1;
	v1 =	vadd.s32 v6, v2;
	v2 =	vmul.u32 $0x2710, v8  }
0xcd: {  	[tilespmem:$0x20] =	vst v1;
	v1 =	vadd.s32 v9, v3  }
0xce: {  	s15 =	simm.s32 $0x400;
	[tilespmem:$0x30] =	vst v1;
	v1 =	vadd.s32 v10, v2  }
0xcf: {  	s22 =	simm.s32 $0x180;
	s25 =	simm.s32 $0x0;
	s21 =	sld [smem:$0x7F4];
	[tilespmem:$0x40] =	vst v1  }
0xd0: {  	[tilespmem:s26], [sflag:$0xB] =	stream.indirect.gather [hbm4b:s14+s1], $0x80, s25, s1, $0xb8;
	[tilespmem:$0x1B580] =	vst v63  }
.LBB2_4:
0xd1: {  	_ =	swait.ge [sflag:s2], $0x50  }
0xd2: {  	[sflag:s2] =	ssyncset.done $0x0  }
0xd3: {  	[sflag:s2] =	ssyncadd.s32 $0xFFFFFFB0  }
0xd4: {  	_ =	swait.ge [sflag:s28], $0x50  }
0xd5: {  	[sflag:s28] =	ssyncset.done $0x0  }
0xd6: {  	s5 =	simm.s32 $0x6;
	[sflag:s28] =	ssyncadd.s32 $0xFFFFFFB0  }
0xd7: {  	_ =	swait.ge [sflag:s5], $0x50  }
0xd8: {  	[sflag:s5] =	ssyncset.done $0x0  }
0xd9: {  	[sflag:s5] =	ssyncadd.s32 $0xFFFFFFB0  }
0xda: {  	v1 =	vld [tilespmem:$0x180]  }
0xdb: {  	v2 =	vld [tilespmem:$0x80]  }
0xdc: {  	v3 =	vld [tilespmem:$0x190]  }
0xdd: {  	v4 =	vld [tilespmem:$0x90]  }
0xde: {  	v5 =	vld [tilespmem:$0x1A0]  }
0xdf: {  	v6 =	vld [tilespmem:$0xA0]  }
0xe0: {  	v7 =	vld [tilespmem:$0x1B0]  }
0xe1: {  	v8 =	vld [tilespmem:$0x1C0]  }
0xe2: {  	v9 =	vld [tilespmem:$0xB0];
	v1 =	vmul.u32 $0x2710, v1  }
0xe3: {  	v10 =	vld [tilespmem:$0xC0];
	v3 =	vmul.u32 $0x2710, v3  }
0xe4: {  	v1 =	vadd.s32 v2, v1;
	v2 =	vmul.u32 $0x2710, v5  }
0xe5: {  	[tilespmem:$0x80] =	vst v1;
	v1 =	vadd.s32 v4, v3;
	v3 =	vmul.u32 $0x2710, v7  }
0xe6: {  	[tilespmem:$0x90] =	vst v1;
	v1 =	vadd.s32 v6, v2;
	v2 =	vmul.u32 $0x2710, v8  }
0xe7: {  	[tilespmem:$0xA0] =	vst v1;
	v1 =	vadd.s32 v9, v3  }
0xe8: {  	p1 =	seq.s32 s25, $0x0;
	[tilespmem:$0xB0] =	vst v1;
	v1 =	vadd.s32 v10, v2  }
0xe9: {  	s5 =	simm.s32 @!p1 $0xF;
	[tilespmem:$0xC0] =	vst v1  }
0xea: {  	_ =	swait.ge @!p1 [sflag:s5], $0x2800  }
0xeb: {  	[sflag:s5] =	ssyncset.done @!p1 $0x0  }
0xec: {  	[sflag:s5] =	ssyncadd.s32 @!p1 $0xFFFFD800  }
0xed: {  	[tilespmem:s10], [sflag:$0xC] =	stream.indirect.gather [hbm4b:s14+s1], $0x80, s23, s1, $0xb8;
	[tilespmem:$0x1B580] =	vst v63  }
0xee: {  	_ =	swait.ge [sflag:s0], $0x2800  }
0xef: {  	[sflag:s0] =	ssyncset.done $0x0  }
0xf0: {  	[sflag:s0] =	ssyncadd.s32 $0xFFFFD800  }
0xf1: {  	[spmem:s3] =	stream.indirect.scatter.add.f32 [tilespmem:s26], [sflag:$0xE], $0x80, s11, s1, $0xb8;
	[tilespmem:$0x1B580] =	vst v63  }
0xf2: {  	s11 =	sld [smem:$0x7FD];
	_ =	sdelay $0x1  }
0xf3: {  	s9 =	sld [smem:$0x7FC]  }
0xf4: {  	s5 =	sadd.s32 s25, s11;
	s11 =	sld [smem:$0x7FB]  }
0xf5: {  	[tilespmem:s4], [sflag:$0x1] =	stream.linear.gather [hbm4b:s5+s4], $0x50, $0x38;
	[tilespmem:$0x1B580] =	vst v63  }
0xf6: {  	s5 =	sadd.s32 s25, s9  }
0xf7: {  	[tilespmem:s24], [sflag:$0x3] =	stream.linear.gather [hbm4b:s5+s4], $0x50, $0x38;
	[tilespmem:$0x1B580] =	vst v63  }
0xf8: {  	s5 =	sadd.s32 s25, s11;
	s11 =	simm.s32 $0x300  }
0xf9: {  	[tilespmem:s11], [sflag:$0x7] =	stream.linear.gather [hbm4b:s5+s4], $0x50, $0x38;
	[tilespmem:$0x1B580] =	vst v63  }
0xfa: {  	_ =	swait.ge [sflag:s29], $0x50  }
0xfb: {  	[sflag:s29] =	ssyncset.done $0x0  }
0xfc: {  	[sflag:s29] =	ssyncadd.s32 $0xFFFFFFB0  }
0xfd: {  	_ =	swait.ge [sflag:s30], $0x50  }
0xfe: {  	[sflag:s30] =	ssyncset.done $0x0  }
0xff: {  	[sflag:s30] =	ssyncadd.s32 $0xFFFFFFB0  }
0x100: {  	_ =	swait.ge [sflag:s6], $0x50  }
0x101: {  	[sflag:s6] =	ssyncset.done $0x0  }
0x102: {  	[sflag:s6] =	ssyncadd.s32 $0xFFFFFFB0  }
0x103: {  	v1 =	vld [tilespmem:$0x100]  }
0x104: {  	v2 =	vld [tilespmem:$0x0]  }
0x105: {  	v3 =	vld [tilespmem:$0x110]  }
0x106: {  	v43 =	vld [tilespmem:$0x10]  }
0x107: {  	v44 =	vld [tilespmem:$0x120]  }
0x108: {  	v45 =	vld [tilespmem:$0x20]  }
0x109: {  	v46 =	vld [tilespmem:$0x130]  }
0x10a: {  	v47 =	vld [tilespmem:$0x140]  }
0x10b: {  	v48 =	vld [tilespmem:$0x30];
	v1 =	vmul.u32 $0x2710, v1  }
0x10c: {  	v49 =	vld [tilespmem:$0x40];
	v3 =	vmul.u32 $0x2710, v3  }
0x10d: {  	v1 =	vadd.s32 v2, v1;
	v2 =	vmul.u32 $0x2710, v44  }
0x10e: {  	[tilespmem:$0x0] =	vst v1;
	v1 =	vadd.s32 v43, v3;
	v3 =	vmul.u32 $0x2710, v46  }
0x10f: {  	[tilespmem:$0x10] =	vst v1;
	v1 =	vadd.s32 v45, v2;
	v2 =	vmul.u32 $0x2710, v47  }
0x110: {  	[tilespmem:$0x20] =	vst v1;
	v1 =	vadd.s32 v48, v3  }
0x111: {  	[tilespmem:$0x30] =	vst v1;
	v1 =	vadd.s32 v49, v2  }
0x112: {  	s5 =	simm.s32 @!p1 $0x10;
	[tilespmem:$0x40] =	vst v1  }
0x113: {  	_ =	swait.ge @!p1 [sflag:s5], $0x2800  }
0x114: {  	[sflag:s5] =	ssyncset.done @!p1 $0x0  }
0x115: {  	[sflag:s5] =	ssyncadd.s32 @!p1 $0xFFFFD800  }
0x116: {  	[tilespmem:s7], [sflag:$0xD] =	stream.indirect.gather [hbm4b:s14+s1], $0x80, s4, s1, $0xb8;
	[tilespmem:$0x1B580] =	vst v63  }
0x117: {  	_ =	swait.ge [sflag:s8], $0x2800  }
0x118: {  	[sflag:s8] =	ssyncset.done $0x0  }
0x119: {  	s9 =	sld [smem:$0x7FA];
	[sflag:s8] =	ssyncadd.s32 $0xFFFFD800  }
0x11a: {  	[spmem:s3] =	stream.indirect.scatter.add.f32 [tilespmem:s10], [sflag:$0xF], $0x80, s17, s1, $0xb8;
	[tilespmem:$0x1B580] =	vst v63  }
0x11b: {  	s17 =	sld [smem:$0x7F9]  }
0x11c: {  	s5 =	sadd.s32 s25, s9  }
0x11d: {  	[tilespmem:s23], [sflag:$0x2] =	stream.linear.gather [hbm4b:s5+s4], $0x50, $0x38;
	[tilespmem:$0x1B580] =	vst v63  }
0x11e: {  	s5 =	sadd.s32 s25, s17  }
0x11f: {  	[tilespmem:s22], [sflag:$0x4] =	stream.linear.gather [hbm4b:s5+s4], $0x50, $0x38;
	[tilespmem:$0x1B580] =	vst v63  }
0x120: {  	s22 =	sld [smem:$0x7F8];
	_ =	sdelay $0x2  }
0x121: {  	s9 =	simm.s32 $0x380;
	s5 =	sadd.s32 s25, s22  }
0x122: {  	[tilespmem:s9], [sflag:$0x8] =	stream.linear.gather [hbm4b:s5+s4], $0x50, $0x38;
	[tilespmem:$0x1B580] =	vst v63  }
0x123: {  	_ =	swait.ge [sflag:s2], $0x50  }
0x124: {  	[sflag:s2] =	ssyncset.done $0x0  }
0x125: {  	[sflag:s2] =	ssyncadd.s32 $0xFFFFFFB0  }
0x126: {  	_ =	swait.ge [sflag:s28], $0x50  }
0x127: {  	[sflag:s28] =	ssyncset.done $0x0  }
0x128: {  	[sflag:s28] =	ssyncadd.s32 $0xFFFFFFB0  }
0x129: {  	_ =	swait.ge [sflag:s12], $0x50  }
0x12a: {  	[sflag:s12] =	ssyncset.done $0x0  }
0x12b: {  	[sflag:s12] =	ssyncadd.s32 $0xFFFFFFB0  }
0x12c: {  	v1 =	vld [tilespmem:$0x180]  }
0x12d: {  	v2 =	vld [tilespmem:$0x80]  }
0x12e: {  	v3 =	vld [tilespmem:$0x190]  }
0x12f: {  	v50 =	vld [tilespmem:$0x90]  }
0x130: {  	v51 =	vld [tilespmem:$0x1A0]  }
0x131: {  	v52 =	vld [tilespmem:$0xA0]  }
0x132: {  	v53 =	vld [tilespmem:$0x1B0]  }
0x133: {  	v54 =	vld [tilespmem:$0x1C0]  }
0x134: {  	v55 =	vld [tilespmem:$0xB0];
	v1 =	vmul.u32 $0x2710, v1  }
0x135: {  	v56 =	vld [tilespmem:$0xC0];
	v3 =	vmul.u32 $0x2710, v3  }
0x136: {  	v1 =	vadd.s32 v2, v1;
	v2 =	vmul.u32 $0x2710, v51  }
0x137: {  	[tilespmem:$0x80] =	vst v1;
	v1 =	vadd.s32 v50, v3;
	v3 =	vmul.u32 $0x2710, v53  }
0x138: {  	[tilespmem:$0x90] =	vst v1;
	v1 =	vadd.s32 v52, v2;
	v2 =	vmul.u32 $0x2710, v54  }
0x139: {  	[tilespmem:$0xA0] =	vst v1;
	v1 =	vadd.s32 v55, v3  }
0x13a: {  	[tilespmem:$0xB0] =	vst v1;
	v1 =	vadd.s32 v56, v2  }
0x13b: {  	[tilespmem:$0xC0] =	vst v1  }
0x13c: {  	_ =	swait.ge [sflag:s13], $0x2800  }
0x13d: {  	[sflag:s13] =	ssyncset.done $0x0  }
0x13e: {  	[sflag:s13] =	ssyncadd.s32 $0xFFFFD800  }
0x13f: {  	[tilespmem:s26], [sflag:$0xB] =	stream.indirect.gather [hbm4b:s14+s1], $0x80, s23, s1, $0xb8;
	[tilespmem:$0x1B580] =	vst v63  }
0x140: {  	_ =	swait.ge [sflag:s16], $0x2800  }
0x141: {  	[sflag:s16] =	ssyncset.done $0x0  }
0x142: {  	[sflag:s16] =	ssyncadd.s32 $0xFFFFD800  }
0x143: {  	[spmem:s3] =	stream.indirect.scatter.add.f32 [tilespmem:s7], [sflag:$0x10], $0x80, s11, s1, $0xb8;
	[tilespmem:$0x1B580] =	vst v63  }
0x144: {  	s11 =	sld [smem:$0x7F7];
	_ =	sdelay $0x1  }
0x145: {  	s22 =	sld [smem:$0x7F6]  }
0x146: {  	s5 =	sadd.s32 s25, s11  }
0x147: {  	[tilespmem:s4], [sflag:$0x1] =	stream.linear.gather [hbm4b:s5+s4], $0x50, $0x38;
	[tilespmem:$0x1B580] =	vst v63  }
0x148: {  	s5 =	sadd.s32 s25, s22  }
0x149: {  	[tilespmem:s24], [sflag:$0x3] =	stream.linear.gather [hbm4b:s5+s4], $0x50, $0x38;
	[tilespmem:$0x1B580] =	vst v63  }
0x14a: {  	s24 =	sld [smem:$0x7F5];
	_ =	sdelay $0x2  }
0x14b: {  	s5 =	sadd.s32 s25, s24  }
0x14c: {  	[tilespmem:s15], [sflag:$0x9] =	stream.linear.gather [hbm4b:s5+s4], $0x50, $0x38;
	[tilespmem:$0x1B580] =	vst v63  }
0x14d: {  	_ =	swait.ge [sflag:s29], $0x50  }
0x14e: {  	[sflag:s29] =	ssyncset.done $0x0  }
0x14f: {  	[sflag:s29] =	ssyncadd.s32 $0xFFFFFFB0  }
0x150: {  	_ =	swait.ge [sflag:s30], $0x50  }
0x151: {  	[sflag:s30] =	ssyncset.done $0x0  }
0x152: {  	[sflag:s30] =	ssyncadd.s32 $0xFFFFFFB0  }
0x153: {  	_ =	swait.ge [sflag:s18], $0x50  }
0x154: {  	[sflag:s18] =	ssyncset.done $0x0  }
0x155: {  	[sflag:s18] =	ssyncadd.s32 $0xFFFFFFB0  }
0x156: {  	v1 =	vld [tilespmem:$0x100]  }
0x157: {  	v2 =	vld [tilespmem:$0x0]  }
0x158: {  	v3 =	vld [tilespmem:$0x110]  }
0x159: {  	v57 =	vld [tilespmem:$0x10]  }
0x15a: {  	v58 =	vld [tilespmem:$0x120]  }
0x15b: {  	v59 =	vld [tilespmem:$0x20]  }
0x15c: {  	v60 =	vld [tilespmem:$0x130]  }
0x15d: {  	v61 =	vld [tilespmem:$0x140]  }
0x15e: {  	v62 =	vld [tilespmem:$0x30];
	v1 =	vmul.u32 $0x2710, v1  }
0x15f: {  	v63 =	vld [tilespmem:$0x40];
	v3 =	vmul.u32 $0x2710, v3  }
0x160: {  	v1 =	vadd.s32 v2, v1;
	v2 =	vmul.u32 $0x2710, v58  }
0x161: {  	[tilespmem:$0x0] =	vst v1;
	v1 =	vadd.s32 v57, v3;
	v3 =	vmul.u32 $0x2710, v60  }
0x162: {  	[tilespmem:$0x10] =	vst v1;
	v1 =	vadd.s32 v59, v2;
	v2 =	vmul.u32 $0x2710, v61  }
0x163: {  	[tilespmem:$0x20] =	vst v1;
	v1 =	vadd.s32 v62, v3  }
0x164: {  	[tilespmem:$0x30] =	vst v1;
	v1 =	vadd.s32 v63, v2  }
0x165: {  	[tilespmem:$0x40] =	vst v1  }
0x166: {  	_ =	swait.ge [sflag:s19], $0x2800  }
0x167: {  	[sflag:s19] =	ssyncset.done $0x0  }
0x168: {  	p1 =	seq.s32 s25, $0x4B0;
	[sflag:s19] =	ssyncadd.s32 $0xFFFFD800  }
0x169: {  	[tilespmem:s10], [sflag:$0xC] =	stream.indirect.gather [hbm4b:s14+s1], $0x80, s4, s1, $0xb8;
	[tilespmem:$0x1B580] =	vst v63  }
.Ltmp3:
0x16a: {  	_ = 	snop;
	(pc) =	sbr.rel @p1 .LBB2_6-.Ltmp3, $4  }
0x16b: {  	s31 =	simm.s32 $0x100;
	_ =	swait.ge [sflag:s0], $0x2800  }
0x16c: {  	s17 =	simm.s32 $0x200;
	s11 =	simm.s32 $0x180;
	[sflag:s0] =	ssyncset.done $0x0  }
0x16d: {  	s24 =	simm.s32 $0x280;
	s15 =	simm.s32 $0x400;
	[sflag:s0] =	ssyncadd.s32 $0xFFFFD800  }
0x16e: {  	[spmem:s3] =	stream.indirect.scatter.add.f32 [tilespmem:s26], [sflag:$0xE], $0x80, s9, s1, $0xb8;
	[tilespmem:$0x1B580] =	vst v63  }
0x16f: {  	s5 =	sld [smem:$0x7F3];
	_ =	sdelay $0x1  }
0x170: {  	s9 =	sld [smem:$0x7F2]  }
0x171: {  	s5 =	sadd.s32 s25, s5  }
0x172: {  	[tilespmem:s23], [sflag:$0x2] =	stream.linear.gather [hbm4b:s5+s4], $0x50, $0x38;
	[tilespmem:$0x1B580] =	vst v63  }
0x173: {  	s5 =	sadd.s32 s25, s9  }
0x174: {  	[tilespmem:s11], [sflag:$0x4] =	stream.linear.gather [hbm4b:s5+s4], $0x50, $0x38;
	[tilespmem:$0x1B580] =	vst v63  }
0x175: {  	s11 =	sld [smem:$0x7F1];
	_ =	sdelay $0x2  }
0x176: {  	s9 =	simm.s32 $0x480;
	s5 =	sadd.s32 s25, s11  }
0x177: {  	[tilespmem:s9], [sflag:$0xA] =	stream.linear.gather [hbm4b:s5+s4], $0x50, $0x38;
	[tilespmem:$0x1B580] =	vst v63  }
0x178: {  	_ =	swait.ge [sflag:s2], $0x50  }
0x179: {  	[sflag:s2] =	ssyncset.done $0x0  }
0x17a: {  	[sflag:s2] =	ssyncadd.s32 $0xFFFFFFB0  }
0x17b: {  	_ =	swait.ge [sflag:s28], $0x50  }
0x17c: {  	[sflag:s28] =	ssyncset.done $0x0  }
0x17d: {  	s22 =	simm.s32 $0xA;
	[sflag:s28] =	ssyncadd.s32 $0xFFFFFFB0  }
0x17e: {  	_ =	swait.ge [sflag:s22], $0x50  }
0x17f: {  	[sflag:s22] =	ssyncset.done $0x0  }
0x180: {  	[sflag:s22] =	ssyncadd.s32 $0xFFFFFFB0  }
0x181: {  	v1 =	vld [tilespmem:$0x180]  }
0x182: {  	v2 =	vld [tilespmem:$0x80]  }
0x183: {  	v3 =	vld [tilespmem:$0x190]  }
0x184: {  	v4 =	vld [tilespmem:$0x90]  }
0x185: {  	v5 =	vld [tilespmem:$0x1A0]  }
0x186: {  	v6 =	vld [tilespmem:$0xA0]  }
0x187: {  	v7 =	vld [tilespmem:$0x1B0]  }
0x188: {  	v8 =	vld [tilespmem:$0x1C0]  }
0x189: {  	v9 =	vld [tilespmem:$0xB0];
	v1 =	vmul.u32 $0x2710, v1  }
0x18a: {  	v10 =	vld [tilespmem:$0xC0];
	v3 =	vmul.u32 $0x2710, v3  }
0x18b: {  	v1 =	vadd.s32 v2, v1;
	v2 =	vmul.u32 $0x2710, v5  }
0x18c: {  	[tilespmem:$0x80] =	vst v1;
	v1 =	vadd.s32 v4, v3;
	v3 =	vmul.u32 $0x2710, v7  }
0x18d: {  	[tilespmem:$0x90] =	vst v1;
	v1 =	vadd.s32 v6, v2;
	v2 =	vmul.u32 $0x2710, v8  }
0x18e: {  	[tilespmem:$0xA0] =	vst v1;
	v1 =	vadd.s32 v9, v3  }
0x18f: {  	[tilespmem:$0xB0] =	vst v1;
	v1 =	vadd.s32 v10, v2  }
0x190: {  	[tilespmem:$0xC0] =	vst v1  }
0x191: {  	_ =	swait.ge [sflag:s20], $0x2800  }
0x192: {  	[sflag:s20] =	ssyncset.done $0x0  }
0x193: {  	[sflag:s20] =	ssyncadd.s32 $0xFFFFD800  }
0x194: {  	[tilespmem:s7], [sflag:$0xD] =	stream.indirect.gather [hbm4b:s14+s1], $0x80, s23, s1, $0xb8;
	[tilespmem:$0x1B580] =	vst v63  }
0x195: {  	_ =	swait.ge [sflag:s8], $0x2800  }
0x196: {  	[sflag:s8] =	ssyncset.done $0x0  }
0x197: {  	s5 =	sshrl.u32 s21, $0x3;
	s11 =	rddreg [dreg:$0xd];
	[sflag:s8] =	ssyncadd.s32 $0xFFFFD800  }
0x198: {  	[spmem:s3] =	stream.indirect.scatter.add.f32 [tilespmem:s10], [sflag:$0xF], $0x80, s15, s1, $0xb8;
	[tilespmem:$0x1B580] =	vst v63  }
0x199: {  	s11 =	sadd.s32 s11, s5  }
0x19a: {  	[tilespmem:s4], [sflag:$0x1] =	stream.linear.gather [hbm4b:s11+s4], $0x50, $0x38;
	[tilespmem:$0x1B580] =	vst v63  }
0x19b: {  	s11 =	rddreg [dreg:$0x1]  }
0x19c: {  	s11 =	sadd.s32 s11, s5  }
0x19d: {  	[tilespmem:s31], [sflag:$0x3] =	stream.linear.gather [hbm4b:s11+s4], $0x50, $0x38;
	[tilespmem:$0x1B580] =	vst v63  }
0x19e: {  	s31 =	rddreg [dreg:$0x2]  }
0x19f: {  	s5 =	sadd.s32 s31, s5  }
0x1a0: {  	[tilespmem:s17], [sflag:$0x5] =	stream.linear.gather [hbm4b:s5+s4], $0x50, $0x38;
	[tilespmem:$0x1B580] =	vst v63  }
0x1a1: {  	_ =	swait.ge [sflag:s29], $0x50  }
0x1a2: {  	[sflag:s29] =	ssyncset.done $0x0  }
0x1a3: {  	[sflag:s29] =	ssyncadd.s32 $0xFFFFFFB0  }
0x1a4: {  	_ =	swait.ge [sflag:s30], $0x50  }
0x1a5: {  	[sflag:s30] =	ssyncset.done $0x0  }
0x1a6: {  	s31 =	simm.s32 $0x5;
	[sflag:s30] =	ssyncadd.s32 $0xFFFFFFB0  }
0x1a7: {  	_ =	swait.ge [sflag:s31], $0x50  }
0x1a8: {  	[sflag:s31] =	ssyncset.done $0x0  }
0x1a9: {  	[sflag:s31] =	ssyncadd.s32 $0xFFFFFFB0  }
0x1aa: {  	v1 =	vld [tilespmem:$0x100]  }
0x1ab: {  	v2 =	vld [tilespmem:$0x0]  }
0x1ac: {  	v3 =	vld [tilespmem:$0x110]  }
0x1ad: {  	v57 =	vld [tilespmem:$0x10]  }
0x1ae: {  	v58 =	vld [tilespmem:$0x120]  }
0x1af: {  	v59 =	vld [tilespmem:$0x20]  }
0x1b0: {  	v60 =	vld [tilespmem:$0x130]  }
0x1b1: {  	v61 =	vld [tilespmem:$0x140]  }
0x1b2: {  	v62 =	vld [tilespmem:$0x30];
	v1 =	vmul.u32 $0x2710, v1  }
0x1b3: {  	v63 =	vld [tilespmem:$0x40];
	v3 =	vmul.u32 $0x2710, v3  }
0x1b4: {  	v1 =	vadd.s32 v2, v1;
	v2 =	vmul.u32 $0x2710, v58  }
0x1b5: {  	[tilespmem:$0x0] =	vst v1;
	v1 =	vadd.s32 v57, v3;
	v3 =	vmul.u32 $0x2710, v60  }
0x1b6: {  	[tilespmem:$0x10] =	vst v1;
	v1 =	vadd.s32 v59, v2;
	v2 =	vmul.u32 $0x2710, v61  }
0x1b7: {  	[tilespmem:$0x20] =	vst v1;
	v1 =	vadd.s32 v62, v3  }
0x1b8: {  	[tilespmem:$0x30] =	vst v1;
	v1 =	vadd.s32 v63, v2  }
0x1b9: {  	[tilespmem:$0x40] =	vst v1  }
0x1ba: {  	_ =	swait.ge [sflag:s13], $0x2800  }
0x1bb: {  	[sflag:s13] =	ssyncset.done $0x0  }
0x1bc: {  	[sflag:s13] =	ssyncadd.s32 $0xFFFFD800  }
0x1bd: {  	[tilespmem:s26], [sflag:$0xB] =	stream.indirect.gather [hbm4b:s14+s1], $0x80, s4, s1, $0xb8;
	[tilespmem:$0x1B580] =	vst v63  }
0x1be: {  	_ =	swait.ge [sflag:s16], $0x2800  }
0x1bf: {  	[sflag:s16] =	ssyncset.done $0x0  }
0x1c0: {  	s21 =	sadd.s32 $0x1E0, s21;
	s11 =	rddreg [dreg:$0x1f];
	[sflag:s16] =	ssyncadd.s32 $0xFFFFD800  }
0x1c1: {  	[spmem:s3] =	stream.indirect.scatter.add.f32 [tilespmem:s7], [sflag:$0x10], $0x80, s9, s1, $0xb8;
	[tilespmem:$0x1B580] =	vst v63  }
0x1c2: {  	s22 =	simm.s32 $0x180;
	s17 =	rddreg [dreg:$0x1e];
	s5 =	sadd.s32 s25, s11  }
0x1c3: {  	[tilespmem:s23], [sflag:$0x2] =	stream.linear.gather [hbm4b:s5+s4], $0x50, $0x38;
	[tilespmem:$0x1B580] =	vst v63  }
.Ltmp4:
0x1c4: {  	s31 =	rddreg [dreg:$0x1d];
	s5 =	sadd.s32 s25, s17;
	(pc) =	sbr.rel .LBB2_4-.Ltmp4, $4  }
0x1c5: {  	[tilespmem:s22], [sflag:$0x4] =	stream.linear.gather [hbm4b:s5+s4], $0x50, $0x38;
	[tilespmem:$0x1B580] =	vst v63  }
0x1c6: {  	s15 =	simm.s32 $0x400;
	s11 =	simm.s32 $0x200;
	s5 =	sadd.s32 s25, s31  }
0x1c7: {  	[tilespmem:s24], [sflag:$0x6] =	stream.linear.gather [hbm4b:s5+s4], $0x50, $0x38;
	[tilespmem:$0x1B580] =	vst v63  }
0x1c8: {  	s17 =	simm.s32 $0x280;
	s25 =	sadd.s32 $0x3C, s25;
	s24 =	simm.s32 $0x100  }
.LBB2_7:
0x1c9: {  	_ =	sfence.sel $0x180000  }
0x1ca: {  	[bflag:$0x0] =	sbarrier.arrive $0xFFFF  }
0x1cb: {  	_ =	strace $0x90000047  }
0x1cc: {  	s0 =	stileid.u32;
	[bflag:$0x2] =	sbarrier.arrive $0xFFFF  }
0x1cd: {  	p0 =	sne.s32 s0, $0x0;
	s0 =	rddreg [dreg:$0x4]  }
0x1ce: {  	s0 =	sadd.s32 @!p0 $0x100000, s0  }
0x1cf: {  	[sflag:s0] =	ssyncadd.tile.s32 @!p0 $0x1;
	_ =	shalt  }
.Lfunc_end2:
_tile_overlayer_lowered:
.L_overlay_start_2:
0x1d0: {  	(tag) =	ssettag $0x2  }
0x1d1: {  	s0 =	rddreg [dreg:$0x0];
	s2 =	stileid.u32  }
0x1d2: {  	s1 =	rddreg [dreg:$0x1];
	p0 =	sne.s32 s2, $0x0  }
0x1d3: {  	s3 =	rddreg [dreg:$0x2];
	[bflag:$0x3] =	sbarrier.arrive $0xFFFF;
	s2 =	simm.s32 @!p0 $0x1C11  }
0x1d4: {  	[timem:s3], [sflag:s2] =	dma.local @!p0 [hbm:s0], s1  }
0x1d5: {  	s0 =	simm.s32 @!p0 $0x11  }
0x1d6: {  	_ =	swait.ge @!p0 [sflag:s0], s1  }
0x1d7: {  	s1 =	ssub.s32 @!p0 $0x0, s1;
	[sflag:s0] =	ssyncset.done @!p0 $0x0  }
0x1d8: {  	[sflag:s0] =	ssyncadd.s32 @!p0 s1  }
0x1d9: {  	[bflag:$0x3] =	sbarrier.arrive $0xFFFF  }
0x1da: {  	_ =	shalt  }

</sc_bundles>
